<compile_context>
chip_gen: v7x
topology: tpu7x:2x2x1
jax: 0.10.2.dev20260603
libtpu: 0.0.44.dev20260713+nightly
codegen_flags: <defaults>
</compile_context>

<pallas_src>
import functools

import jax
import jax.numpy as jnp
from jax import lax
from jax.experimental import pallas as pl
from jax.experimental.pallas import tpu as pltpu
from jax.experimental.pallas import tpu_sc as plsc


def kernel(input_tensor):
    B, C, H, W = input_tensor.shape
    CO = C // 2
    x = input_tensor.reshape(B, CO, 2, H, W)

    NC, NS = 2, 16
    NW = NC * NS
    BPW = B // NW

    NB = 3
    CHW = 8
    JC = CO // CHW
    nch = BPW * JC
    nround = nch // NB

    mesh = plsc.VectorSubcoreMesh(core_axis_name="c", subcore_axis_name="s")

    @functools.partial(
        pl.kernel,
        mesh=mesh,
        out_type=jax.ShapeDtypeStruct((B, CO, H, W), jnp.float32),
        scratch_types=[
            pltpu.VMEM((NB, CHW, H, W), jnp.float32),
            pltpu.SemaphoreType.DMA,
            pltpu.SemaphoreType.DMA,
            pltpu.SemaphoreType.DMA,
            pltpu.SemaphoreType.DMA,
            pltpu.SemaphoreType.DMA,
            pltpu.SemaphoreType.DMA,
        ],
    )
    def sel(in_hbm, out_hbm, buf, g0, g1, g2, s0, s1, s2):
        gsem = [g0, g1, g2]
        ssem = [s0, s1, s2]
        wid = lax.axis_index("s") * NC + lax.axis_index("c")
        b0 = wid * BPW

        def gather(k, slot):
            b = b0 + k // JC
            j = k % JC
            return pltpu.make_async_copy(
                in_hbm.at[b, pl.ds(j * CHW, CHW), 0],
                buf.at[slot],
                gsem[slot],
            )

        def scatter(k, slot):
            b = b0 + k // JC
            j = k % JC
            return pltpu.make_async_copy(
                buf.at[slot],
                out_hbm.at[b, pl.ds(j * CHW, CHW)],
                ssem[slot],
            )

        for slot in range(NB):
            gather(slot, slot).start()

        def round_body(r, carry, prefetch):
            for slot in range(NB):
                k = r * NB + slot
                gather(k, slot).wait()
                scatter(k, slot).start()
            for slot in range(NB):
                k = r * NB + slot
                scatter(k, slot).wait()
                if prefetch:
                    gather(k + NB, slot).start()
            return carry

        lax.fori_loop(0, nround - 1,
                      lambda r, c: round_body(r, c, True), 0)
        round_body(nround - 1, 0, False)

    y = sel(x)
    return y

# --- scband reference (transcript-rebuilt; emitter-appended) ---
"""Pipeline reference for scband-channel-selection-18829136626337 (READ-ONLY COPY).

The authoritative reference and input builder live on the scoring server;
editing this copy changes nothing except your own understanding.
"""

import jax, jax.numpy as jnp
import numpy as np

INDEXES = jnp.array(list(range(0, 384, 2)), dtype=jnp.int32)


def setup_inputs(seed: int = 0) -> dict:
    key = jax.random.key(seed)
    x = jax.random.normal(key, (128, 384, 28, 28), dtype=jnp.float32)
    return {"input_tensor": x}


def reference(input_tensor):
    # ChannelSelection.forward with fc=False:
    # len(indexes)=192 != input_tensor.shape[1]=384, so gather channels
    return jnp.take(input_tensor, INDEXES, axis=1)

if __name__ == "__main__":
    import jax
    _d = setup_inputs()
    print(jax.jit(kernel)(*tuple(_d.values())))

</pallas_src>

<mosaic_0001>
#map = affine_map<(d0, d1) -> (0, 0, 0, 0, 0)>
#map1 = affine_map<(d0, d1) -> (0, 0, 0, 0)>
module attributes {stable_mosaic.version = 14 : i64} {
  func.func @sel(%arg0: i32, %arg1: i32, %arg2: memref<128x192x2x28x28xf32, #tpu.memory_space<hbm>>, %arg3: memref<128x192x28x28xf32, #tpu.memory_space<hbm>>, %arg4: memref<3x8x28x28xf32, #tpu.memory_space<vmem>>, %arg5: memref<!tpu.dma_semaphore, #tpu.memory_space<semaphore_mem>>, %arg6: memref<!tpu.dma_semaphore, #tpu.memory_space<semaphore_mem>>, %arg7: memref<!tpu.dma_semaphore, #tpu.memory_space<semaphore_mem>>, %arg8: memref<!tpu.dma_semaphore, #tpu.memory_space<semaphore_mem>>, %arg9: memref<!tpu.dma_semaphore, #tpu.memory_space<semaphore_mem>>, %arg10: memref<!tpu.dma_semaphore, #tpu.memory_space<semaphore_mem>>) attributes {dimension_semantics = [#tpu.dimension_semantics<core_parallel>, #tpu.dimension_semantics<subcore_parallel>], iteration_bounds = array<i64: 2, 16>, scalar_prefetch = 0 : i64, scratch_operands = 7 : i64, tpu.core_type = #tpu.core_type<sc_vector_subcore>, window_params = [{transform_indices = #map}, {transform_indices = #map1}]} {
    %mul3A = arith.constant 2 : i32
    %mul3A_0 = arith.muli %arg1, %mul3A : i32
    %add3A = arith.addi %mul3A_0, %arg0 : i32
    %mul3A_1 = arith.constant 4 : i32
    %mul3A_2 = arith.muli %add3A, %mul3A_1 : i32
    %add3A_3 = arith.constant 0 : i32
    %add3A_4 = arith.addi %mul3A_2, %add3A_3 : i32
    %dma_start3A = arith.constant 0 : i32
    %dma_start3A_5 = arith.constant 0 : i32
    %dma_start3A_6 = arith.constant 0 : i32
    %dma_start3A_7 = arith.constant 0 : i32
    %dma_start3A_8 = arith.constant 0 : i32
    %dma_start3A_9 = tpu.memref_slice %arg4[%dma_start3A_5, %dma_start3A_6, %dma_start3A_7, %dma_start3A_8] : memref<3x8x28x28xf32, #tpu.memory_space<vmem>> -> memref<1x8x28x28xf32, #tpu.memory_space<vmem>>
    %dma_start3A_10 = tpu.memref_squeeze %dma_start3A_9 : memref<1x8x28x28xf32, #tpu.memory_space<vmem>> -> memref<8x28x28xf32, #tpu.memory_space<vmem>>
    %dma_start3A_11 = arith.constant 0 : i32
    %dma_start3A_12 = arith.constant 0 : i32
    %dma_start3A_13 = arith.constant 0 : i32
    %dma_start3A_14 = tpu.memref_slice %arg2[%add3A_4, %dma_start3A_11, %dma_start3A, %dma_start3A_12, %dma_start3A_13] : memref<128x192x2x28x28xf32, #tpu.memory_space<hbm>> -> memref<1x8x1x28x28xf32, #tpu.memory_space<hbm>>
    %dma_start3A_15 = tpu.memref_squeeze %dma_start3A_14 : memref<1x8x1x28x28xf32, #tpu.memory_space<hbm>> -> memref<8x28x28xf32, #tpu.memory_space<hbm>>
    %dma_start3A_16 = arith.constant 0 : i32
    %dma_start3A_17 = arith.constant 0 : i32
    %dma_start3A_18 = arith.constant 0 : i32
    %dma_start3A_19 = tpu.memref_slice %arg4[%dma_start3A_5, %dma_start3A_16, %dma_start3A_17, %dma_start3A_18] : memref<3x8x28x28xf32, #tpu.memory_space<vmem>> -> memref<1x8x28x28xf32, #tpu.memory_space<vmem>>
    %dma_start3A_20 = tpu.memref_squeeze %dma_start3A_19 : memref<1x8x28x28xf32, #tpu.memory_space<vmem>> -> memref<8x28x28xf32, #tpu.memory_space<vmem>>
    %dma_start3A_21 = arith.constant 0 : i32
    %dma_start3A_22 = arith.constant 0 : i32
    %dma_start3A_23 = arith.constant 0 : i32
    %dma_start3A_24 = tpu.memref_slice %arg2[%add3A_4, %dma_start3A_21, %dma_start3A, %dma_start3A_22, %dma_start3A_23] : memref<128x192x2x28x28xf32, #tpu.memory_space<hbm>> -> memref<1x8x1x28x28xf32, #tpu.memory_space<hbm>>
    %dma_start3A_25 = tpu.memref_squeeze %dma_start3A_24 : memref<1x8x1x28x28xf32, #tpu.memory_space<hbm>> -> memref<8x28x28xf32, #tpu.memory_space<hbm>>
    tpu.enqueue_dma source(%dma_start3A_25 : memref<8x28x28xf32, #tpu.memory_space<hbm>>) target(%dma_start3A_20 : memref<8x28x28xf32, #tpu.memory_space<vmem>>) target_semaphore(%arg5 : memref<!tpu.dma_semaphore, #tpu.memory_space<semaphore_mem>>)
    %add3A_26 = arith.constant 0 : i32
    %add3A_27 = arith.addi %mul3A_2, %add3A_26 : i32
    %dma_start3A_28 = arith.constant 0 : i32
    %dma_start3A_29 = arith.constant 1 : i32
    %dma_start3A_30 = arith.constant 0 : i32
    %dma_start3A_31 = arith.constant 0 : i32
    %dma_start3A_32 = arith.constant 0 : i32
    %dma_start3A_33 = tpu.memref_slice %arg4[%dma_start3A_29, %dma_start3A_30, %dma_start3A_31, %dma_start3A_32] : memref<3x8x28x28xf32, #tpu.memory_space<vmem>> -> memref<1x8x28x28xf32, #tpu.memory_space<vmem>>
    %dma_start3A_34 = tpu.memref_squeeze %dma_start3A_33 : memref<1x8x28x28xf32, #tpu.memory_space<vmem>> -> memref<8x28x28xf32, #tpu.memory_space<vmem>>
    %dma_start3A_35 = arith.constant 8 : i32
    %dma_start3A_36 = arith.constant 0 : i32
    %dma_start3A_37 = arith.constant 0 : i32
    %dma_start3A_38 = tpu.memref_slice %arg2[%add3A_27, %dma_start3A_35, %dma_start3A_28, %dma_start3A_36, %dma_start3A_37] : memref<128x192x2x28x28xf32, #tpu.memory_space<hbm>> -> memref<1x8x1x28x28xf32, #tpu.memory_space<hbm>>
    %dma_start3A_39 = tpu.memref_squeeze %dma_start3A_38 : memref<1x8x1x28x28xf32, #tpu.memory_space<hbm>> -> memref<8x28x28xf32, #tpu.memory_space<hbm>>
    %dma_start3A_40 = arith.constant 0 : i32
    %dma_start3A_41 = arith.constant 0 : i32
    %dma_start3A_42 = arith.constant 0 : i32
    %dma_start3A_43 = tpu.memref_slice %arg4[%dma_start3A_29, %dma_start3A_40, %dma_start3A_41, %dma_start3A_42] : memref<3x8x28x28xf32, #tpu.memory_space<vmem>> -> memref<1x8x28x28xf32, #tpu.memory_space<vmem>>
    %dma_start3A_44 = tpu.memref_squeeze %dma_start3A_43 : memref<1x8x28x28xf32, #tpu.memory_space<vmem>> -> memref<8x28x28xf32, #tpu.memory_space<vmem>>
    %dma_start3A_45 = arith.constant 8 : i32
    %dma_start3A_46 = arith.constant 0 : i32
    %dma_start3A_47 = arith.constant 0 : i32
    %dma_start3A_48 = tpu.memref_slice %arg2[%add3A_27, %dma_start3A_45, %dma_start3A_28, %dma_start3A_46, %dma_start3A_47] : memref<128x192x2x28x28xf32, #tpu.memory_space<hbm>> -> memref<1x8x1x28x28xf32, #tpu.memory_space<hbm>>
    %dma_start3A_49 = tpu.memref_squeeze %dma_start3A_48 : memref<1x8x1x28x28xf32, #tpu.memory_space<hbm>> -> memref<8x28x28xf32, #tpu.memory_space<hbm>>
    tpu.enqueue_dma source(%dma_start3A_49 : memref<8x28x28xf32, #tpu.memory_space<hbm>>) target(%dma_start3A_44 : memref<8x28x28xf32, #tpu.memory_space<vmem>>) target_semaphore(%arg6 : memref<!tpu.dma_semaphore, #tpu.memory_space<semaphore_mem>>)
    %add3A_50 = arith.constant 0 : i32
    %add3A_51 = arith.addi %mul3A_2, %add3A_50 : i32
    %dma_start3A_52 = arith.constant 0 : i32
    %dma_start3A_53 = arith.constant 2 : i32
    %dma_start3A_54 = arith.constant 0 : i32
    %dma_start3A_55 = arith.constant 0 : i32
    %dma_start3A_56 = arith.constant 0 : i32
    %dma_start3A_57 = tpu.memref_slice %arg4[%dma_start3A_53, %dma_start3A_54, %dma_start3A_55, %dma_start3A_56] : memref<3x8x28x28xf32, #tpu.memory_space<vmem>> -> memref<1x8x28x28xf32, #tpu.memory_space<vmem>>
    %dma_start3A_58 = tpu.memref_squeeze %dma_start3A_57 : memref<1x8x28x28xf32, #tpu.memory_space<vmem>> -> memref<8x28x28xf32, #tpu.memory_space<vmem>>
    %dma_start3A_59 = arith.constant 16 : i32
    %dma_start3A_60 = arith.constant 0 : i32
    %dma_start3A_61 = arith.constant 0 : i32
    %dma_start3A_62 = tpu.memref_slice %arg2[%add3A_51, %dma_start3A_59, %dma_start3A_52, %dma_start3A_60, %dma_start3A_61] : memref<128x192x2x28x28xf32, #tpu.memory_space<hbm>> -> memref<1x8x1x28x28xf32, #tpu.memory_space<hbm>>
    %dma_start3A_63 = tpu.memref_squeeze %dma_start3A_62 : memref<1x8x1x28x28xf32, #tpu.memory_space<hbm>> -> memref<8x28x28xf32, #tpu.memory_space<hbm>>
    %dma_start3A_64 = arith.constant 0 : i32
    %dma_start3A_65 = arith.constant 0 : i32
    %dma_start3A_66 = arith.constant 0 : i32
    %dma_start3A_67 = tpu.memref_slice %arg4[%dma_start3A_53, %dma_start3A_64, %dma_start3A_65, %dma_start3A_66] : memref<3x8x28x28xf32, #tpu.memory_space<vmem>> -> memref<1x8x28x28xf32, #tpu.memory_space<vmem>>
    %dma_start3A_68 = tpu.memref_squeeze %dma_start3A_67 : memref<1x8x28x28xf32, #tpu.memory_space<vmem>> -> memref<8x28x28xf32, #tpu.memory_space<vmem>>
    %dma_start3A_69 = arith.constant 16 : i32
    %dma_start3A_70 = arith.constant 0 : i32
    %dma_start3A_71 = arith.constant 0 : i32
    %dma_start3A_72 = tpu.memref_slice %arg2[%add3A_51, %dma_start3A_69, %dma_start3A_52, %dma_start3A_70, %dma_start3A_71] : memref<128x192x2x28x28xf32, #tpu.memory_space<hbm>> -> memref<1x8x1x28x28xf32, #tpu.memory_space<hbm>>
    %dma_start3A_73 = tpu.memref_squeeze %dma_start3A_72 : memref<1x8x1x28x28xf32, #tpu.memory_space<hbm>> -> memref<8x28x28xf32, #tpu.memory_space<hbm>>
    tpu.enqueue_dma source(%dma_start3A_73 : memref<8x28x28xf32, #tpu.memory_space<hbm>>) target(%dma_start3A_68 : memref<8x28x28xf32, #tpu.memory_space<vmem>>) target_semaphore(%arg7 : memref<!tpu.dma_semaphore, #tpu.memory_space<semaphore_mem>>)
    %scan3A = arith.constant 0 : i32
    %scan3A_74 = arith.constant 0 : i32
    %scan3A_75 = arith.constant 31 : i32
    %scan3A_76 = arith.addi %scan3A_74, %scan3A_75 : i32
    %scan3A_77 = arith.constant 1 : i32
    scf.for %scan3A_288 = %scan3A_74 to %scan3A_76 step %scan3A_77  : i32 {
      %mul3A_289 = arith.constant 3 : i32
      %mul3A_290 = arith.muli %scan3A_288, %mul3A_289 : i32
      %add3A_291 = arith.constant 0 : i32
      %add3A_292 = arith.addi %mul3A_290, %add3A_291 : i32
      %jit3A = arith.constant 24 : i32
      %div3A = arith.divsi %add3A_292, %jit3A : i32
      %sign3A = arith.constant 0 : i32
      %sign3A_293 = arith.cmpi sgt, %add3A_292, %sign3A : i32
      %sign3A_294 = arith.extui %sign3A_293 : i1 to i32
      %sign3A_295 = arith.constant 0 : i32
      %sign3A_296 = arith.cmpi slt, %add3A_292, %sign3A_295 : i32
      %sign3A_297 = arith.extui %sign3A_296 : i1 to i32
      %sign3A_298 = arith.subi %sign3A_294, %sign3A_297 : i32
      %sign3A_299 = arith.constant 0 : i32
      %sign3A_300 = arith.cmpi sgt, %jit3A, %sign3A_299 : i32
      %sign3A_301 = arith.extui %sign3A_300 : i1 to i32
      %sign3A_302 = arith.constant 0 : i32
      %sign3A_303 = arith.cmpi slt, %jit3A, %sign3A_302 : i32
      %sign3A_304 = arith.extui %sign3A_303 : i1 to i32
      %sign3A_305 = arith.subi %sign3A_301, %sign3A_304 : i32
      %ne3A = arith.cmpi ne, %sign3A_298, %sign3A_305 : i32
      %rem3A = arith.remsi %add3A_292, %jit3A : i32
      %ne3A_306 = arith.constant 0 : i32
      %ne3A_307 = arith.cmpi ne, %rem3A, %ne3A_306 : i32
      %and3A = arith.andi %ne3A, %ne3A_307 : i1
      %sub3A = arith.constant 1 : i32
      %sub3A_308 = arith.subi %div3A, %sub3A : i32
      %select_n3A = arith.select %and3A, %sub3A_308, %div3A : i32
      %add3A_309 = arith.addi %mul3A_2, %select_n3A : i32
      %jit3A_310 = arith.constant 24 : i32
      %eq3A = arith.constant 0 : i32
      %eq3A_311 = arith.cmpi eq, %jit3A_310, %eq3A : i32
      %jit3A_312 = arith.constant 1 : i32
      %select_n3A_313 = arith.select %eq3A_311, %jit3A_312, %jit3A_310 : i32
      %rem3A_314 = arith.remsi %add3A_292, %select_n3A_313 : i32
      %ne3A_315 = arith.constant 0 : i32
      %ne3A_316 = arith.cmpi ne, %rem3A_314, %ne3A_315 : i32
      %lt3A = arith.constant 0 : i32
      %lt3A_317 = arith.cmpi slt, %rem3A_314, %lt3A : i32
      %lt3A_318 = arith.constant 0 : i32
      %lt3A_319 = arith.cmpi slt, %select_n3A_313, %lt3A_318 : i32
      %ne3A_320 = arith.xori %lt3A_317, %lt3A_319 : i1
      %and3A_321 = arith.andi %ne3A_320, %ne3A_316 : i1
      %add3A_322 = arith.addi %rem3A_314, %select_n3A_313 : i32
      %select_n3A_323 = arith.select %and3A_321, %add3A_322, %rem3A_314 : i32
      %mul3A_324 = arith.constant 8 : i32
      %mul3A_325 = arith.muli %select_n3A_323, %mul3A_324 : i32
      %dma_wait3A_326 = arith.constant 0 : i32
      %dma_wait3A_327 = arith.constant 0 : i32
      %dma_wait3A_328 = arith.constant 0 : i32
      %dma_wait3A_329 = arith.constant 0 : i32
      %dma_wait3A_330 = arith.constant 0 : i32
      %dma_wait3A_331 = tpu.memref_slice %arg4[%dma_wait3A_327, %dma_wait3A_328, %dma_wait3A_329, %dma_wait3A_330] : memref<3x8x28x28xf32, #tpu.memory_space<vmem>> -> memref<1x8x28x28xf32, #tpu.memory_space<vmem>>
      %dma_wait3A_332 = tpu.memref_squeeze %dma_wait3A_331 : memref<1x8x28x28xf32, #tpu.memory_space<vmem>> -> memref<8x28x28xf32, #tpu.memory_space<vmem>>
      %dma_wait3A_333 = arith.constant 0 : i32
      %dma_wait3A_334 = arith.constant 0 : i32
      %dma_wait3A_335 = tpu.memref_slice %arg2[%add3A_309, %mul3A_325, %dma_wait3A_326, %dma_wait3A_333, %dma_wait3A_334] : memref<128x192x2x28x28xf32, #tpu.memory_space<hbm>> -> memref<1x8x1x28x28xf32, #tpu.memory_space<hbm>>
      %dma_wait3A_336 = tpu.memref_squeeze %dma_wait3A_335 : memref<1x8x1x28x28xf32, #tpu.memory_space<hbm>> -> memref<8x28x28xf32, #tpu.memory_space<hbm>>
      %dma_wait3A_337 = arith.constant 0 : i32
      %dma_wait3A_338 = arith.constant 0 : i32
      %dma_wait3A_339 = arith.constant 0 : i32
      %dma_wait3A_340 = tpu.memref_slice %arg4[%dma_wait3A_327, %dma_wait3A_337, %dma_wait3A_338, %dma_wait3A_339] : memref<3x8x28x28xf32, #tpu.memory_space<vmem>> -> memref<1x8x28x28xf32, #tpu.memory_space<vmem>>
      %dma_wait3A_341 = tpu.memref_squeeze %dma_wait3A_340 : memref<1x8x28x28xf32, #tpu.memory_space<vmem>> -> memref<8x28x28xf32, #tpu.memory_space<vmem>>
      %dma_wait3A_342 = arith.constant 0 : i32
      %dma_wait3A_343 = arith.constant 0 : i32
      %dma_wait3A_344 = tpu.memref_slice %arg2[%add3A_309, %mul3A_325, %dma_wait3A_326, %dma_wait3A_342, %dma_wait3A_343] : memref<128x192x2x28x28xf32, #tpu.memory_space<hbm>> -> memref<1x8x1x28x28xf32, #tpu.memory_space<hbm>>
      %dma_wait3A_345 = tpu.memref_squeeze %dma_wait3A_344 : memref<1x8x1x28x28xf32, #tpu.memory_space<hbm>> -> memref<8x28x28xf32, #tpu.memory_space<hbm>>
      tpu.wait_dma2 semaphore(%arg5 : memref<!tpu.dma_semaphore, #tpu.memory_space<semaphore_mem>>) src(%dma_wait3A_345 : memref<8x28x28xf32, #tpu.memory_space<hbm>>) dst(%dma_wait3A_341 : memref<8x28x28xf32, #tpu.memory_space<vmem>>)
      %jit3A_346 = arith.constant 24 : i32
      %div3A_347 = arith.divsi %add3A_292, %jit3A_346 : i32
      %sign3A_348 = arith.constant 0 : i32
      %sign3A_349 = arith.cmpi sgt, %add3A_292, %sign3A_348 : i32
      %sign3A_350 = arith.extui %sign3A_349 : i1 to i32
      %sign3A_351 = arith.constant 0 : i32
      %sign3A_352 = arith.cmpi slt, %add3A_292, %sign3A_351 : i32
      %sign3A_353 = arith.extui %sign3A_352 : i1 to i32
      %sign3A_354 = arith.subi %sign3A_350, %sign3A_353 : i32
      %sign3A_355 = arith.constant 0 : i32
      %sign3A_356 = arith.cmpi sgt, %jit3A_346, %sign3A_355 : i32
      %sign3A_357 = arith.extui %sign3A_356 : i1 to i32
      %sign3A_358 = arith.constant 0 : i32
      %sign3A_359 = arith.cmpi slt, %jit3A_346, %sign3A_358 : i32
      %sign3A_360 = arith.extui %sign3A_359 : i1 to i32
      %sign3A_361 = arith.subi %sign3A_357, %sign3A_360 : i32
      %ne3A_362 = arith.cmpi ne, %sign3A_354, %sign3A_361 : i32
      %rem3A_363 = arith.remsi %add3A_292, %jit3A_346 : i32
      %ne3A_364 = arith.constant 0 : i32
      %ne3A_365 = arith.cmpi ne, %rem3A_363, %ne3A_364 : i32
      %and3A_366 = arith.andi %ne3A_362, %ne3A_365 : i1
      %sub3A_367 = arith.constant 1 : i32
      %sub3A_368 = arith.subi %div3A_347, %sub3A_367 : i32
      %select_n3A_369 = arith.select %and3A_366, %sub3A_368, %div3A_347 : i32
      %add3A_370 = arith.addi %mul3A_2, %select_n3A_369 : i32
      %jit3A_371 = arith.constant 24 : i32
      %eq3A_372 = arith.constant 0 : i32
      %eq3A_373 = arith.cmpi eq, %jit3A_371, %eq3A_372 : i32
      %jit3A_374 = arith.constant 1 : i32
      %select_n3A_375 = arith.select %eq3A_373, %jit3A_374, %jit3A_371 : i32
      %rem3A_376 = arith.remsi %add3A_292, %select_n3A_375 : i32
      %ne3A_377 = arith.constant 0 : i32
      %ne3A_378 = arith.cmpi ne, %rem3A_376, %ne3A_377 : i32
      %lt3A_379 = arith.constant 0 : i32
      %lt3A_380 = arith.cmpi slt, %rem3A_376, %lt3A_379 : i32
      %lt3A_381 = arith.constant 0 : i32
      %lt3A_382 = arith.cmpi slt, %select_n3A_375, %lt3A_381 : i32
      %ne3A_383 = arith.xori %lt3A_380, %lt3A_382 : i1
      %and3A_384 = arith.andi %ne3A_383, %ne3A_378 : i1
      %add3A_385 = arith.addi %rem3A_376, %select_n3A_375 : i32
      %select_n3A_386 = arith.select %and3A_384, %add3A_385, %rem3A_376 : i32
      %mul3A_387 = arith.constant 8 : i32
      %mul3A_388 = arith.muli %select_n3A_386, %mul3A_387 : i32
      %dma_start3A_389 = arith.constant 0 : i32
      %dma_start3A_390 = arith.constant 0 : i32
      %dma_start3A_391 = arith.constant 0 : i32
      %dma_start3A_392 = arith.constant 0 : i32
      %dma_start3A_393 = tpu.memref_slice %arg4[%dma_start3A_389, %dma_start3A_390, %dma_start3A_391, %dma_start3A_392] : memref<3x8x28x28xf32, #tpu.memory_space<vmem>> -> memref<1x8x28x28xf32, #tpu.memory_space<vmem>>
      %dma_start3A_394 = tpu.memref_squeeze %dma_start3A_393 : memref<1x8x28x28xf32, #tpu.memory_space<vmem>> -> memref<8x28x28xf32, #tpu.memory_space<vmem>>
      %dma_start3A_395 = arith.constant 0 : i32
      %dma_start3A_396 = arith.constant 0 : i32
      %dma_start3A_397 = tpu.memref_slice %arg3[%add3A_370, %mul3A_388, %dma_start3A_395, %dma_start3A_396] : memref<128x192x28x28xf32, #tpu.memory_space<hbm>> -> memref<1x8x28x28xf32, #tpu.memory_space<hbm>>
      %dma_start3A_398 = tpu.memref_squeeze %dma_start3A_397 : memref<1x8x28x28xf32, #tpu.memory_space<hbm>> -> memref<8x28x28xf32, #tpu.memory_space<hbm>>
      %dma_start3A_399 = arith.constant 0 : i32
      %dma_start3A_400 = arith.constant 0 : i32
      %dma_start3A_401 = tpu.memref_slice %arg3[%add3A_370, %mul3A_388, %dma_start3A_399, %dma_start3A_400] : memref<128x192x28x28xf32, #tpu.memory_space<hbm>> -> memref<1x8x28x28xf32, #tpu.memory_space<hbm>>
      %dma_start3A_402 = tpu.memref_squeeze %dma_start3A_401 : memref<1x8x28x28xf32, #tpu.memory_space<hbm>> -> memref<8x28x28xf32, #tpu.memory_space<hbm>>
      %dma_start3A_403 = arith.constant 0 : i32
      %dma_start3A_404 = arith.constant 0 : i32
      %dma_start3A_405 = arith.constant 0 : i32
      %dma_start3A_406 = tpu.memref_slice %arg4[%dma_start3A_389, %dma_start3A_403, %dma_start3A_404, %dma_start3A_405] : memref<3x8x28x28xf32, #tpu.memory_space<vmem>> -> memref<1x8x28x28xf32, #tpu.memory_space<vmem>>
      %dma_start3A_407 = tpu.memref_squeeze %dma_start3A_406 : memref<1x8x28x28xf32, #tpu.memory_space<vmem>> -> memref<8x28x28xf32, #tpu.memory_space<vmem>>
      tpu.enqueue_dma source(%dma_start3A_407 : memref<8x28x28xf32, #tpu.memory_space<vmem>>) target(%dma_start3A_402 : memref<8x28x28xf32, #tpu.memory_space<hbm>>) target_semaphore(%arg8 : memref<!tpu.dma_semaphore, #tpu.memory_space<semaphore_mem>>)
      %mul3A_408 = arith.constant 3 : i32
      %mul3A_409 = arith.muli %scan3A_288, %mul3A_408 : i32
      %add3A_410 = arith.constant 1 : i32
      %add3A_411 = arith.addi %mul3A_409, %add3A_410 : i32
      %jit3A_412 = arith.constant 24 : i32
      %div3A_413 = arith.divsi %add3A_411, %jit3A_412 : i32
      %sign3A_414 = arith.constant 0 : i32
      %sign3A_415 = arith.cmpi sgt, %add3A_411, %sign3A_414 : i32
      %sign3A_416 = arith.extui %sign3A_415 : i1 to i32
      %sign3A_417 = arith.constant 0 : i32
      %sign3A_418 = arith.cmpi slt, %add3A_411, %sign3A_417 : i32
      %sign3A_419 = arith.extui %sign3A_418 : i1 to i32
      %sign3A_420 = arith.subi %sign3A_416, %sign3A_419 : i32
      %sign3A_421 = arith.constant 0 : i32
      %sign3A_422 = arith.cmpi sgt, %jit3A_412, %sign3A_421 : i32
      %sign3A_423 = arith.extui %sign3A_422 : i1 to i32
      %sign3A_424 = arith.constant 0 : i32
      %sign3A_425 = arith.cmpi slt, %jit3A_412, %sign3A_424 : i32
      %sign3A_426 = arith.extui %sign3A_425 : i1 to i32
      %sign3A_427 = arith.subi %sign3A_423, %sign3A_426 : i32
      %ne3A_428 = arith.cmpi ne, %sign3A_420, %sign3A_427 : i32
      %rem3A_429 = arith.remsi %add3A_411, %jit3A_412 : i32
      %ne3A_430 = arith.constant 0 : i32
      %ne3A_431 = arith.cmpi ne, %rem3A_429, %ne3A_430 : i32
      %and3A_432 = arith.andi %ne3A_428, %ne3A_431 : i1
      %sub3A_433 = arith.constant 1 : i32
      %sub3A_434 = arith.subi %div3A_413, %sub3A_433 : i32
      %select_n3A_435 = arith.select %and3A_432, %sub3A_434, %div3A_413 : i32
      %add3A_436 = arith.addi %mul3A_2, %select_n3A_435 : i32
      %jit3A_437 = arith.constant 24 : i32
      %eq3A_438 = arith.constant 0 : i32
      %eq3A_439 = arith.cmpi eq, %jit3A_437, %eq3A_438 : i32
      %jit3A_440 = arith.constant 1 : i32
      %select_n3A_441 = arith.select %eq3A_439, %jit3A_440, %jit3A_437 : i32
      %rem3A_442 = arith.remsi %add3A_411, %select_n3A_441 : i32
      %ne3A_443 = arith.constant 0 : i32
      %ne3A_444 = arith.cmpi ne, %rem3A_442, %ne3A_443 : i32
      %lt3A_445 = arith.constant 0 : i32
      %lt3A_446 = arith.cmpi slt, %rem3A_442, %lt3A_445 : i32
      %lt3A_447 = arith.constant 0 : i32
      %lt3A_448 = arith.cmpi slt, %select_n3A_441, %lt3A_447 : i32
      %ne3A_449 = arith.xori %lt3A_446, %lt3A_448 : i1
      %and3A_450 = arith.andi %ne3A_449, %ne3A_444 : i1
      %add3A_451 = arith.addi %rem3A_442, %select_n3A_441 : i32
      %select_n3A_452 = arith.select %and3A_450, %add3A_451, %rem3A_442 : i32
      %mul3A_453 = arith.constant 8 : i32
      %mul3A_454 = arith.muli %select_n3A_452, %mul3A_453 : i32
      %dma_wait3A_455 = arith.constant 0 : i32
      %dma_wait3A_456 = arith.constant 1 : i32
      %dma_wait3A_457 = arith.constant 0 : i32
      %dma_wait3A_458 = arith.constant 0 : i32
      %dma_wait3A_459 = arith.constant 0 : i32
      %dma_wait3A_460 = tpu.memref_slice %arg4[%dma_wait3A_456, %dma_wait3A_457, %dma_wait3A_458, %dma_wait3A_459] : memref<3x8x28x28xf32, #tpu.memory_space<vmem>> -> memref<1x8x28x28xf32, #tpu.memory_space<vmem>>
      %dma_wait3A_461 = tpu.memref_squeeze %dma_wait3A_460 : memref<1x8x28x28xf32, #tpu.memory_space<vmem>> -> memref<8x28x28xf32, #tpu.memory_space<vmem>>
      %dma_wait3A_462 = arith.constant 0 : i32
      %dma_wait3A_463 = arith.constant 0 : i32
      %dma_wait3A_464 = tpu.memref_slice %arg2[%add3A_436, %mul3A_454, %dma_wait3A_455, %dma_wait3A_462, %dma_wait3A_463] : memref<128x192x2x28x28xf32, #tpu.memory_space<hbm>> -> memref<1x8x1x28x28xf32, #tpu.memory_space<hbm>>
      %dma_wait3A_465 = tpu.memref_squeeze %dma_wait3A_464 : memref<1x8x1x28x28xf32, #tpu.memory_space<hbm>> -> memref<8x28x28xf32, #tpu.memory_space<hbm>>
      %dma_wait3A_466 = arith.constant 0 : i32
      %dma_wait3A_467 = arith.constant 0 : i32
      %dma_wait3A_468 = arith.constant 0 : i32
      %dma_wait3A_469 = tpu.memref_slice %arg4[%dma_wait3A_456, %dma_wait3A_466, %dma_wait3A_467, %dma_wait3A_468] : memref<3x8x28x28xf32, #tpu.memory_space<vmem>> -> memref<1x8x28x28xf32, #tpu.memory_space<vmem>>
      %dma_wait3A_470 = tpu.memref_squeeze %dma_wait3A_469 : memref<1x8x28x28xf32, #tpu.memory_space<vmem>> -> memref<8x28x28xf32, #tpu.memory_space<vmem>>
      %dma_wait3A_471 = arith.constant 0 : i32
      %dma_wait3A_472 = arith.constant 0 : i32
      %dma_wait3A_473 = tpu.memref_slice %arg2[%add3A_436, %mul3A_454, %dma_wait3A_455, %dma_wait3A_471, %dma_wait3A_472] : memref<128x192x2x28x28xf32, #tpu.memory_space<hbm>> -> memref<1x8x1x28x28xf32, #tpu.memory_space<hbm>>
      %dma_wait3A_474 = tpu.memref_squeeze %dma_wait3A_473 : memref<1x8x1x28x28xf32, #tpu.memory_space<hbm>> -> memref<8x28x28xf32, #tpu.memory_space<hbm>>
      tpu.wait_dma2 semaphore(%arg6 : memref<!tpu.dma_semaphore, #tpu.memory_space<semaphore_mem>>) src(%dma_wait3A_474 : memref<8x28x28xf32, #tpu.memory_space<hbm>>) dst(%dma_wait3A_470 : memref<8x28x28xf32, #tpu.memory_space<vmem>>)
      %jit3A_475 = arith.constant 24 : i32
      %div3A_476 = arith.divsi %add3A_411, %jit3A_475 : i32
      %sign3A_477 = arith.constant 0 : i32
      %sign3A_478 = arith.cmpi sgt, %add3A_411, %sign3A_477 : i32
      %sign3A_479 = arith.extui %sign3A_478 : i1 to i32
      %sign3A_480 = arith.constant 0 : i32
      %sign3A_481 = arith.cmpi slt, %add3A_411, %sign3A_480 : i32
      %sign3A_482 = arith.extui %sign3A_481 : i1 to i32
      %sign3A_483 = arith.subi %sign3A_479, %sign3A_482 : i32
      %sign3A_484 = arith.constant 0 : i32
      %sign3A_485 = arith.cmpi sgt, %jit3A_475, %sign3A_484 : i32
      %sign3A_486 = arith.extui %sign3A_485 : i1 to i32
      %sign3A_487 = arith.constant 0 : i32
      %sign3A_488 = arith.cmpi slt, %jit3A_475, %sign3A_487 : i32
      %sign3A_489 = arith.extui %sign3A_488 : i1 to i32
      %sign3A_490 = arith.subi %sign3A_486, %sign3A_489 : i32
      %ne3A_491 = arith.cmpi ne, %sign3A_483, %sign3A_490 : i32
      %rem3A_492 = arith.remsi %add3A_411, %jit3A_475 : i32
      %ne3A_493 = arith.constant 0 : i32
      %ne3A_494 = arith.cmpi ne, %rem3A_492, %ne3A_493 : i32
      %and3A_495 = arith.andi %ne3A_491, %ne3A_494 : i1
      %sub3A_496 = arith.constant 1 : i32
      %sub3A_497 = arith.subi %div3A_476, %sub3A_496 : i32
      %select_n3A_498 = arith.select %and3A_495, %sub3A_497, %div3A_476 : i32
      %add3A_499 = arith.addi %mul3A_2, %select_n3A_498 : i32
      %jit3A_500 = arith.constant 24 : i32
      %eq3A_501 = arith.constant 0 : i32
      %eq3A_502 = arith.cmpi eq, %jit3A_500, %eq3A_501 : i32
      %jit3A_503 = arith.constant 1 : i32
      %select_n3A_504 = arith.select %eq3A_502, %jit3A_503, %jit3A_500 : i32
      %rem3A_505 = arith.remsi %add3A_411, %select_n3A_504 : i32
      %ne3A_506 = arith.constant 0 : i32
      %ne3A_507 = arith.cmpi ne, %rem3A_505, %ne3A_506 : i32
      %lt3A_508 = arith.constant 0 : i32
      %lt3A_509 = arith.cmpi slt, %rem3A_505, %lt3A_508 : i32
      %lt3A_510 = arith.constant 0 : i32
      %lt3A_511 = arith.cmpi slt, %select_n3A_504, %lt3A_510 : i32
      %ne3A_512 = arith.xori %lt3A_509, %lt3A_511 : i1
      %and3A_513 = arith.andi %ne3A_512, %ne3A_507 : i1
      %add3A_514 = arith.addi %rem3A_505, %select_n3A_504 : i32
      %select_n3A_515 = arith.select %and3A_513, %add3A_514, %rem3A_505 : i32
      %mul3A_516 = arith.constant 8 : i32
      %mul3A_517 = arith.muli %select_n3A_515, %mul3A_516 : i32
      %dma_start3A_518 = arith.constant 1 : i32
      %dma_start3A_519 = arith.constant 0 : i32
      %dma_start3A_520 = arith.constant 0 : i32
      %dma_start3A_521 = arith.constant 0 : i32
      %dma_start3A_522 = tpu.memref_slice %arg4[%dma_start3A_518, %dma_start3A_519, %dma_start3A_520, %dma_start3A_521] : memref<3x8x28x28xf32, #tpu.memory_space<vmem>> -> memref<1x8x28x28xf32, #tpu.memory_space<vmem>>
      %dma_start3A_523 = tpu.memref_squeeze %dma_start3A_522 : memref<1x8x28x28xf32, #tpu.memory_space<vmem>> -> memref<8x28x28xf32, #tpu.memory_space<vmem>>
      %dma_start3A_524 = arith.constant 0 : i32
      %dma_start3A_525 = arith.constant 0 : i32
      %dma_start3A_526 = tpu.memref_slice %arg3[%add3A_499, %mul3A_517, %dma_start3A_524, %dma_start3A_525] : memref<128x192x28x28xf32, #tpu.memory_space<hbm>> -> memref<1x8x28x28xf32, #tpu.memory_space<hbm>>
      %dma_start3A_527 = tpu.memref_squeeze %dma_start3A_526 : memref<1x8x28x28xf32, #tpu.memory_space<hbm>> -> memref<8x28x28xf32, #tpu.memory_space<hbm>>
      %dma_start3A_528 = arith.constant 0 : i32
      %dma_start3A_529 = arith.constant 0 : i32
      %dma_start3A_530 = tpu.memref_slice %arg3[%add3A_499, %mul3A_517, %dma_start3A_528, %dma_start3A_529] : memref<128x192x28x28xf32, #tpu.memory_space<hbm>> -> memref<1x8x28x28xf32, #tpu.memory_space<hbm>>
      %dma_start3A_531 = tpu.memref_squeeze %dma_start3A_530 : memref<1x8x28x28xf32, #tpu.memory_space<hbm>> -> memref<8x28x28xf32, #tpu.memory_space<hbm>>
      %dma_start3A_532 = arith.constant 0 : i32
      %dma_start3A_533 = arith.constant 0 : i32
      %dma_start3A_534 = arith.constant 0 : i32
      %dma_start3A_535 = tpu.memref_slice %arg4[%dma_start3A_518, %dma_start3A_532, %dma_start3A_533, %dma_start3A_534] : memref<3x8x28x28xf32, #tpu.memory_space<vmem>> -> memref<1x8x28x28xf32, #tpu.memory_space<vmem>>
      %dma_start3A_536 = tpu.memref_squeeze %dma_start3A_535 : memref<1x8x28x28xf32, #tpu.memory_space<vmem>> -> memref<8x28x28xf32, #tpu.memory_space<vmem>>
      tpu.enqueue_dma source(%dma_start3A_536 : memref<8x28x28xf32, #tpu.memory_space<vmem>>) target(%dma_start3A_531 : memref<8x28x28xf32, #tpu.memory_space<hbm>>) target_semaphore(%arg9 : memref<!tpu.dma_semaphore, #tpu.memory_space<semaphore_mem>>)
      %mul3A_537 = arith.constant 3 : i32
      %mul3A_538 = arith.muli %scan3A_288, %mul3A_537 : i32
      %add3A_539 = arith.constant 2 : i32
      %add3A_540 = arith.addi %mul3A_538, %add3A_539 : i32
      %jit3A_541 = arith.constant 24 : i32
      %div3A_542 = arith.divsi %add3A_540, %jit3A_541 : i32
      %sign3A_543 = arith.constant 0 : i32
      %sign3A_544 = arith.cmpi sgt, %add3A_540, %sign3A_543 : i32
      %sign3A_545 = arith.extui %sign3A_544 : i1 to i32
      %sign3A_546 = arith.constant 0 : i32
      %sign3A_547 = arith.cmpi slt, %add3A_540, %sign3A_546 : i32
      %sign3A_548 = arith.extui %sign3A_547 : i1 to i32
      %sign3A_549 = arith.subi %sign3A_545, %sign3A_548 : i32
      %sign3A_550 = arith.constant 0 : i32
      %sign3A_551 = arith.cmpi sgt, %jit3A_541, %sign3A_550 : i32
      %sign3A_552 = arith.extui %sign3A_551 : i1 to i32
      %sign3A_553 = arith.constant 0 : i32
      %sign3A_554 = arith.cmpi slt, %jit3A_541, %sign3A_553 : i32
      %sign3A_555 = arith.extui %sign3A_554 : i1 to i32
      %sign3A_556 = arith.subi %sign3A_552, %sign3A_555 : i32
      %ne3A_557 = arith.cmpi ne, %sign3A_549, %sign3A_556 : i32
      %rem3A_558 = arith.remsi %add3A_540, %jit3A_541 : i32
      %ne3A_559 = arith.constant 0 : i32
      %ne3A_560 = arith.cmpi ne, %rem3A_558, %ne3A_559 : i32
      %and3A_561 = arith.andi %ne3A_557, %ne3A_560 : i1
      %sub3A_562 = arith.constant 1 : i32
      %sub3A_563 = arith.subi %div3A_542, %sub3A_562 : i32
      %select_n3A_564 = arith.select %and3A_561, %sub3A_563, %div3A_542 : i32
      %add3A_565 = arith.addi %mul3A_2, %select_n3A_564 : i32
      %jit3A_566 = arith.constant 24 : i32
      %eq3A_567 = arith.constant 0 : i32
      %eq3A_568 = arith.cmpi eq, %jit3A_566, %eq3A_567 : i32
      %jit3A_569 = arith.constant 1 : i32
      %select_n3A_570 = arith.select %eq3A_568, %jit3A_569, %jit3A_566 : i32
      %rem3A_571 = arith.remsi %add3A_540, %select_n3A_570 : i32
      %ne3A_572 = arith.constant 0 : i32
      %ne3A_573 = arith.cmpi ne, %rem3A_571, %ne3A_572 : i32
      %lt3A_574 = arith.constant 0 : i32
      %lt3A_575 = arith.cmpi slt, %rem3A_571, %lt3A_574 : i32
      %lt3A_576 = arith.constant 0 : i32
      %lt3A_577 = arith.cmpi slt, %select_n3A_570, %lt3A_576 : i32
      %ne3A_578 = arith.xori %lt3A_575, %lt3A_577 : i1
      %and3A_579 = arith.andi %ne3A_578, %ne3A_573 : i1
      %add3A_580 = arith.addi %rem3A_571, %select_n3A_570 : i32
      %select_n3A_581 = arith.select %and3A_579, %add3A_580, %rem3A_571 : i32
      %mul3A_582 = arith.constant 8 : i32
      %mul3A_583 = arith.muli %select_n3A_581, %mul3A_582 : i32
      %dma_wait3A_584 = arith.constant 0 : i32
      %dma_wait3A_585 = arith.constant 2 : i32
      %dma_wait3A_586 = arith.constant 0 : i32
      %dma_wait3A_587 = arith.constant 0 : i32
      %dma_wait3A_588 = arith.constant 0 : i32
      %dma_wait3A_589 = tpu.memref_slice %arg4[%dma_wait3A_585, %dma_wait3A_586, %dma_wait3A_587, %dma_wait3A_588] : memref<3x8x28x28xf32, #tpu.memory_space<vmem>> -> memref<1x8x28x28xf32, #tpu.memory_space<vmem>>
      %dma_wait3A_590 = tpu.memref_squeeze %dma_wait3A_589 : memref<1x8x28x28xf32, #tpu.memory_space<vmem>> -> memref<8x28x28xf32, #tpu.memory_space<vmem>>
      %dma_wait3A_591 = arith.constant 0 : i32
      %dma_wait3A_592 = arith.constant 0 : i32
      %dma_wait3A_593 = tpu.memref_slice %arg2[%add3A_565, %mul3A_583, %dma_wait3A_584, %dma_wait3A_591, %dma_wait3A_592] : memref<128x192x2x28x28xf32, #tpu.memory_space<hbm>> -> memref<1x8x1x28x28xf32, #tpu.memory_space<hbm>>
      %dma_wait3A_594 = tpu.memref_squeeze %dma_wait3A_593 : memref<1x8x1x28x28xf32, #tpu.memory_space<hbm>> -> memref<8x28x28xf32, #tpu.memory_space<hbm>>
      %dma_wait3A_595 = arith.constant 0 : i32
      %dma_wait3A_596 = arith.constant 0 : i32
      %dma_wait3A_597 = arith.constant 0 : i32
      %dma_wait3A_598 = tpu.memref_slice %arg4[%dma_wait3A_585, %dma_wait3A_595, %dma_wait3A_596, %dma_wait3A_597] : memref<3x8x28x28xf32, #tpu.memory_space<vmem>> -> memref<1x8x28x28xf32, #tpu.memory_space<vmem>>
      %dma_wait3A_599 = tpu.memref_squeeze %dma_wait3A_598 : memref<1x8x28x28xf32, #tpu.memory_space<vmem>> -> memref<8x28x28xf32, #tpu.memory_space<vmem>>
      %dma_wait3A_600 = arith.constant 0 : i32
      %dma_wait3A_601 = arith.constant 0 : i32
      %dma_wait3A_602 = tpu.memref_slice %arg2[%add3A_565, %mul3A_583, %dma_wait3A_584, %dma_wait3A_600, %dma_wait3A_601] : memref<128x192x2x28x28xf32, #tpu.memory_space<hbm>> -> memref<1x8x1x28x28xf32, #tpu.memory_space<hbm>>
      %dma_wait3A_603 = tpu.memref_squeeze %dma_wait3A_602 : memref<1x8x1x28x28xf32, #tpu.memory_space<hbm>> -> memref<8x28x28xf32, #tpu.memory_space<hbm>>
      tpu.wait_dma2 semaphore(%arg7 : memref<!tpu.dma_semaphore, #tpu.memory_space<semaphore_mem>>) src(%dma_wait3A_603 : memref<8x28x28xf32, #tpu.memory_space<hbm>>) dst(%dma_wait3A_599 : memref<8x28x28xf32, #tpu.memory_space<vmem>>)
      %jit3A_604 = arith.constant 24 : i32
      %div3A_605 = arith.divsi %add3A_540, %jit3A_604 : i32
      %sign3A_606 = arith.constant 0 : i32
      %sign3A_607 = arith.cmpi sgt, %add3A_540, %sign3A_606 : i32
      %sign3A_608 = arith.extui %sign3A_607 : i1 to i32
      %sign3A_609 = arith.constant 0 : i32
      %sign3A_610 = arith.cmpi slt, %add3A_540, %sign3A_609 : i32
      %sign3A_611 = arith.extui %sign3A_610 : i1 to i32
      %sign3A_612 = arith.subi %sign3A_608, %sign3A_611 : i32
      %sign3A_613 = arith.constant 0 : i32
      %sign3A_614 = arith.cmpi sgt, %jit3A_604, %sign3A_613 : i32
      %sign3A_615 = arith.extui %sign3A_614 : i1 to i32
      %sign3A_616 = arith.constant 0 : i32
      %sign3A_617 = arith.cmpi slt, %jit3A_604, %sign3A_616 : i32
      %sign3A_618 = arith.extui %sign3A_617 : i1 to i32
      %sign3A_619 = arith.subi %sign3A_615, %sign3A_618 : i32
      %ne3A_620 = arith.cmpi ne, %sign3A_612, %sign3A_619 : i32
      %rem3A_621 = arith.remsi %add3A_540, %jit3A_604 : i32
      %ne3A_622 = arith.constant 0 : i32
      %ne3A_623 = arith.cmpi ne, %rem3A_621, %ne3A_622 : i32
      %and3A_624 = arith.andi %ne3A_620, %ne3A_623 : i1
      %sub3A_625 = arith.constant 1 : i32
      %sub3A_626 = arith.subi %div3A_605, %sub3A_625 : i32
      %select_n3A_627 = arith.select %and3A_624, %sub3A_626, %div3A_605 : i32
      %add3A_628 = arith.addi %mul3A_2, %select_n3A_627 : i32
      %jit3A_629 = arith.constant 24 : i32
      %eq3A_630 = arith.constant 0 : i32
      %eq3A_631 = arith.cmpi eq, %jit3A_629, %eq3A_630 : i32
      %jit3A_632 = arith.constant 1 : i32
      %select_n3A_633 = arith.select %eq3A_631, %jit3A_632, %jit3A_629 : i32
      %rem3A_634 = arith.remsi %add3A_540, %select_n3A_633 : i32
      %ne3A_635 = arith.constant 0 : i32
      %ne3A_636 = arith.cmpi ne, %rem3A_634, %ne3A_635 : i32
      %lt3A_637 = arith.constant 0 : i32
      %lt3A_638 = arith.cmpi slt, %rem3A_634, %lt3A_637 : i32
      %lt3A_639 = arith.constant 0 : i32
      %lt3A_640 = arith.cmpi slt, %select_n3A_633, %lt3A_639 : i32
      %ne3A_641 = arith.xori %lt3A_638, %lt3A_640 : i1
      %and3A_642 = arith.andi %ne3A_641, %ne3A_636 : i1
      %add3A_643 = arith.addi %rem3A_634, %select_n3A_633 : i32
      %select_n3A_644 = arith.select %and3A_642, %add3A_643, %rem3A_634 : i32
      %mul3A_645 = arith.constant 8 : i32
      %mul3A_646 = arith.muli %select_n3A_644, %mul3A_645 : i32
      %dma_start3A_647 = arith.constant 2 : i32
      %dma_start3A_648 = arith.constant 0 : i32
      %dma_start3A_649 = arith.constant 0 : i32
      %dma_start3A_650 = arith.constant 0 : i32
      %dma_start3A_651 = tpu.memref_slice %arg4[%dma_start3A_647, %dma_start3A_648, %dma_start3A_649, %dma_start3A_650] : memref<3x8x28x28xf32, #tpu.memory_space<vmem>> -> memref<1x8x28x28xf32, #tpu.memory_space<vmem>>
      %dma_start3A_652 = tpu.memref_squeeze %dma_start3A_651 : memref<1x8x28x28xf32, #tpu.memory_space<vmem>> -> memref<8x28x28xf32, #tpu.memory_space<vmem>>
      %dma_start3A_653 = arith.constant 0 : i32
      %dma_start3A_654 = arith.constant 0 : i32
      %dma_start3A_655 = tpu.memref_slice %arg3[%add3A_628, %mul3A_646, %dma_start3A_653, %dma_start3A_654] : memref<128x192x28x28xf32, #tpu.memory_space<hbm>> -> memref<1x8x28x28xf32, #tpu.memory_space<hbm>>
      %dma_start3A_656 = tpu.memref_squeeze %dma_start3A_655 : memref<1x8x28x28xf32, #tpu.memory_space<hbm>> -> memref<8x28x28xf32, #tpu.memory_space<hbm>>
      %dma_start3A_657 = arith.constant 0 : i32
      %dma_start3A_658 = arith.constant 0 : i32
      %dma_start3A_659 = tpu.memref_slice %arg3[%add3A_628, %mul3A_646, %dma_start3A_657, %dma_start3A_658] : memref<128x192x28x28xf32, #tpu.memory_space<hbm>> -> memref<1x8x28x28xf32, #tpu.memory_space<hbm>>
      %dma_start3A_660 = tpu.memref_squeeze %dma_start3A_659 : memref<1x8x28x28xf32, #tpu.memory_space<hbm>> -> memref<8x28x28xf32, #tpu.memory_space<hbm>>
      %dma_start3A_661 = arith.constant 0 : i32
      %dma_start3A_662 = arith.constant 0 : i32
      %dma_start3A_663 = arith.constant 0 : i32
      %dma_start3A_664 = tpu.memref_slice %arg4[%dma_start3A_647, %dma_start3A_661, %dma_start3A_662, %dma_start3A_663] : memref<3x8x28x28xf32, #tpu.memory_space<vmem>> -> memref<1x8x28x28xf32, #tpu.memory_space<vmem>>
      %dma_start3A_665 = tpu.memref_squeeze %dma_start3A_664 : memref<1x8x28x28xf32, #tpu.memory_space<vmem>> -> memref<8x28x28xf32, #tpu.memory_space<vmem>>
      tpu.enqueue_dma source(%dma_start3A_665 : memref<8x28x28xf32, #tpu.memory_space<vmem>>) target(%dma_start3A_660 : memref<8x28x28xf32, #tpu.memory_space<hbm>>) target_semaphore(%arg10 : memref<!tpu.dma_semaphore, #tpu.memory_space<semaphore_mem>>)
      %mul3A_666 = arith.constant 3 : i32
      %mul3A_667 = arith.muli %scan3A_288, %mul3A_666 : i32
      %add3A_668 = arith.constant 0 : i32
      %add3A_669 = arith.addi %mul3A_667, %add3A_668 : i32
      %jit3A_670 = arith.constant 24 : i32
      %div3A_671 = arith.divsi %add3A_669, %jit3A_670 : i32
      %sign3A_672 = arith.constant 0 : i32
      %sign3A_673 = arith.cmpi sgt, %add3A_669, %sign3A_672 : i32
      %sign3A_674 = arith.extui %sign3A_673 : i1 to i32
      %sign3A_675 = arith.constant 0 : i32
      %sign3A_676 = arith.cmpi slt, %add3A_669, %sign3A_675 : i32
      %sign3A_677 = arith.extui %sign3A_676 : i1 to i32
      %sign3A_678 = arith.subi %sign3A_674, %sign3A_677 : i32
      %sign3A_679 = arith.constant 0 : i32
      %sign3A_680 = arith.cmpi sgt, %jit3A_670, %sign3A_679 : i32
      %sign3A_681 = arith.extui %sign3A_680 : i1 to i32
      %sign3A_682 = arith.constant 0 : i32
      %sign3A_683 = arith.cmpi slt, %jit3A_670, %sign3A_682 : i32
      %sign3A_684 = arith.extui %sign3A_683 : i1 to i32
      %sign3A_685 = arith.subi %sign3A_681, %sign3A_684 : i32
      %ne3A_686 = arith.cmpi ne, %sign3A_678, %sign3A_685 : i32
      %rem3A_687 = arith.remsi %add3A_669, %jit3A_670 : i32
      %ne3A_688 = arith.constant 0 : i32
      %ne3A_689 = arith.cmpi ne, %rem3A_687, %ne3A_688 : i32
      %and3A_690 = arith.andi %ne3A_686, %ne3A_689 : i1
      %sub3A_691 = arith.constant 1 : i32
      %sub3A_692 = arith.subi %div3A_671, %sub3A_691 : i32
      %select_n3A_693 = arith.select %and3A_690, %sub3A_692, %div3A_671 : i32
      %add3A_694 = arith.addi %mul3A_2, %select_n3A_693 : i32
      %jit3A_695 = arith.constant 24 : i32
      %eq3A_696 = arith.constant 0 : i32
      %eq3A_697 = arith.cmpi eq, %jit3A_695, %eq3A_696 : i32
      %jit3A_698 = arith.constant 1 : i32
      %select_n3A_699 = arith.select %eq3A_697, %jit3A_698, %jit3A_695 : i32
      %rem3A_700 = arith.remsi %add3A_669, %select_n3A_699 : i32
      %ne3A_701 = arith.constant 0 : i32
      %ne3A_702 = arith.cmpi ne, %rem3A_700, %ne3A_701 : i32
      %lt3A_703 = arith.constant 0 : i32
      %lt3A_704 = arith.cmpi slt, %rem3A_700, %lt3A_703 : i32
      %lt3A_705 = arith.constant 0 : i32
      %lt3A_706 = arith.cmpi slt, %select_n3A_699, %lt3A_705 : i32
      %ne3A_707 = arith.xori %lt3A_704, %lt3A_706 : i1
      %and3A_708 = arith.andi %ne3A_707, %ne3A_702 : i1
      %add3A_709 = arith.addi %rem3A_700, %select_n3A_699 : i32
      %select_n3A_710 = arith.select %and3A_708, %add3A_709, %rem3A_700 : i32
      %mul3A_711 = arith.constant 8 : i32
      %mul3A_712 = arith.muli %select_n3A_710, %mul3A_711 : i32
      %dma_wait3A_713 = arith.constant 0 : i32
      %dma_wait3A_714 = arith.constant 0 : i32
      %dma_wait3A_715 = arith.constant 0 : i32
      %dma_wait3A_716 = arith.constant 0 : i32
      %dma_wait3A_717 = tpu.memref_slice %arg4[%dma_wait3A_713, %dma_wait3A_714, %dma_wait3A_715, %dma_wait3A_716] : memref<3x8x28x28xf32, #tpu.memory_space<vmem>> -> memref<1x8x28x28xf32, #tpu.memory_space<vmem>>
      %dma_wait3A_718 = tpu.memref_squeeze %dma_wait3A_717 : memref<1x8x28x28xf32, #tpu.memory_space<vmem>> -> memref<8x28x28xf32, #tpu.memory_space<vmem>>
      %dma_wait3A_719 = arith.constant 0 : i32
      %dma_wait3A_720 = arith.constant 0 : i32
      %dma_wait3A_721 = tpu.memref_slice %arg3[%add3A_694, %mul3A_712, %dma_wait3A_719, %dma_wait3A_720] : memref<128x192x28x28xf32, #tpu.memory_space<hbm>> -> memref<1x8x28x28xf32, #tpu.memory_space<hbm>>
      %dma_wait3A_722 = tpu.memref_squeeze %dma_wait3A_721 : memref<1x8x28x28xf32, #tpu.memory_space<hbm>> -> memref<8x28x28xf32, #tpu.memory_space<hbm>>
      %dma_wait3A_723 = arith.constant 0 : i32
      %dma_wait3A_724 = arith.constant 0 : i32
      %dma_wait3A_725 = tpu.memref_slice %arg3[%add3A_694, %mul3A_712, %dma_wait3A_723, %dma_wait3A_724] : memref<128x192x28x28xf32, #tpu.memory_space<hbm>> -> memref<1x8x28x28xf32, #tpu.memory_space<hbm>>
      %dma_wait3A_726 = tpu.memref_squeeze %dma_wait3A_725 : memref<1x8x28x28xf32, #tpu.memory_space<hbm>> -> memref<8x28x28xf32, #tpu.memory_space<hbm>>
      %dma_wait3A_727 = arith.constant 0 : i32
      %dma_wait3A_728 = arith.constant 0 : i32
      %dma_wait3A_729 = arith.constant 0 : i32
      %dma_wait3A_730 = tpu.memref_slice %arg4[%dma_wait3A_713, %dma_wait3A_727, %dma_wait3A_728, %dma_wait3A_729] : memref<3x8x28x28xf32, #tpu.memory_space<vmem>> -> memref<1x8x28x28xf32, #tpu.memory_space<vmem>>
      %dma_wait3A_731 = tpu.memref_squeeze %dma_wait3A_730 : memref<1x8x28x28xf32, #tpu.memory_space<vmem>> -> memref<8x28x28xf32, #tpu.memory_space<vmem>>
      tpu.wait_dma2 semaphore(%arg8 : memref<!tpu.dma_semaphore, #tpu.memory_space<semaphore_mem>>) src(%dma_wait3A_731 : memref<8x28x28xf32, #tpu.memory_space<vmem>>) dst(%dma_wait3A_726 : memref<8x28x28xf32, #tpu.memory_space<hbm>>)
      %add3A_732 = arith.constant 3 : i32
      %add3A_733 = arith.addi %add3A_669, %add3A_732 : i32
      %jit3A_734 = arith.constant 24 : i32
      %div3A_735 = arith.divsi %add3A_733, %jit3A_734 : i32
      %sign3A_736 = arith.constant 0 : i32
      %sign3A_737 = arith.cmpi sgt, %add3A_733, %sign3A_736 : i32
      %sign3A_738 = arith.extui %sign3A_737 : i1 to i32
      %sign3A_739 = arith.constant 0 : i32
      %sign3A_740 = arith.cmpi slt, %add3A_733, %sign3A_739 : i32
      %sign3A_741 = arith.extui %sign3A_740 : i1 to i32
      %sign3A_742 = arith.subi %sign3A_738, %sign3A_741 : i32
      %sign3A_743 = arith.constant 0 : i32
      %sign3A_744 = arith.cmpi sgt, %jit3A_734, %sign3A_743 : i32
      %sign3A_745 = arith.extui %sign3A_744 : i1 to i32
      %sign3A_746 = arith.constant 0 : i32
      %sign3A_747 = arith.cmpi slt, %jit3A_734, %sign3A_746 : i32
      %sign3A_748 = arith.extui %sign3A_747 : i1 to i32
      %sign3A_749 = arith.subi %sign3A_745, %sign3A_748 : i32
      %ne3A_750 = arith.cmpi ne, %sign3A_742, %sign3A_749 : i32
      %rem3A_751 = arith.remsi %add3A_733, %jit3A_734 : i32
      %ne3A_752 = arith.constant 0 : i32
      %ne3A_753 = arith.cmpi ne, %rem3A_751, %ne3A_752 : i32
      %and3A_754 = arith.andi %ne3A_750, %ne3A_753 : i1
      %sub3A_755 = arith.constant 1 : i32
      %sub3A_756 = arith.subi %div3A_735, %sub3A_755 : i32
      %select_n3A_757 = arith.select %and3A_754, %sub3A_756, %div3A_735 : i32
      %add3A_758 = arith.addi %mul3A_2, %select_n3A_757 : i32
      %jit3A_759 = arith.constant 24 : i32
      %eq3A_760 = arith.constant 0 : i32
      %eq3A_761 = arith.cmpi eq, %jit3A_759, %eq3A_760 : i32
      %jit3A_762 = arith.constant 1 : i32
      %select_n3A_763 = arith.select %eq3A_761, %jit3A_762, %jit3A_759 : i32
      %rem3A_764 = arith.remsi %add3A_733, %select_n3A_763 : i32
      %ne3A_765 = arith.constant 0 : i32
      %ne3A_766 = arith.cmpi ne, %rem3A_764, %ne3A_765 : i32
      %lt3A_767 = arith.constant 0 : i32
      %lt3A_768 = arith.cmpi slt, %rem3A_764, %lt3A_767 : i32
      %lt3A_769 = arith.constant 0 : i32
      %lt3A_770 = arith.cmpi slt, %select_n3A_763, %lt3A_769 : i32
      %ne3A_771 = arith.xori %lt3A_768, %lt3A_770 : i1
      %and3A_772 = arith.andi %ne3A_771, %ne3A_766 : i1
      %add3A_773 = arith.addi %rem3A_764, %select_n3A_763 : i32
      %select_n3A_774 = arith.select %and3A_772, %add3A_773, %rem3A_764 : i32
      %mul3A_775 = arith.constant 8 : i32
      %mul3A_776 = arith.muli %select_n3A_774, %mul3A_775 : i32
      %dma_start3A_777 = arith.constant 0 : i32
      %dma_start3A_778 = arith.constant 0 : i32
      %dma_start3A_779 = arith.constant 0 : i32
      %dma_start3A_780 = arith.constant 0 : i32
      %dma_start3A_781 = arith.constant 0 : i32
      %dma_start3A_782 = tpu.memref_slice %arg4[%dma_start3A_778, %dma_start3A_779, %dma_start3A_780, %dma_start3A_781] : memref<3x8x28x28xf32, #tpu.memory_space<vmem>> -> memref<1x8x28x28xf32, #tpu.memory_space<vmem>>
      %dma_start3A_783 = tpu.memref_squeeze %dma_start3A_782 : memref<1x8x28x28xf32, #tpu.memory_space<vmem>> -> memref<8x28x28xf32, #tpu.memory_space<vmem>>
      %dma_start3A_784 = arith.constant 0 : i32
      %dma_start3A_785 = arith.constant 0 : i32
      %dma_start3A_786 = tpu.memref_slice %arg2[%add3A_758, %mul3A_776, %dma_start3A_777, %dma_start3A_784, %dma_start3A_785] : memref<128x192x2x28x28xf32, #tpu.memory_space<hbm>> -> memref<1x8x1x28x28xf32, #tpu.memory_space<hbm>>
      %dma_start3A_787 = tpu.memref_squeeze %dma_start3A_786 : memref<1x8x1x28x28xf32, #tpu.memory_space<hbm>> -> memref<8x28x28xf32, #tpu.memory_space<hbm>>
      %dma_start3A_788 = arith.constant 0 : i32
      %dma_start3A_789 = arith.constant 0 : i32
      %dma_start3A_790 = arith.constant 0 : i32
      %dma_start3A_791 = tpu.memref_slice %arg4[%dma_start3A_778, %dma_start3A_788, %dma_start3A_789, %dma_start3A_790] : memref<3x8x28x28xf32, #tpu.memory_space<vmem>> -> memref<1x8x28x28xf32, #tpu.memory_space<vmem>>
      %dma_start3A_792 = tpu.memref_squeeze %dma_start3A_791 : memref<1x8x28x28xf32, #tpu.memory_space<vmem>> -> memref<8x28x28xf32, #tpu.memory_space<vmem>>
      %dma_start3A_793 = arith.constant 0 : i32
      %dma_start3A_794 = arith.constant 0 : i32
      %dma_start3A_795 = tpu.memref_slice %arg2[%add3A_758, %mul3A_776, %dma_start3A_777, %dma_start3A_793, %dma_start3A_794] : memref<128x192x2x28x28xf32, #tpu.memory_space<hbm>> -> memref<1x8x1x28x28xf32, #tpu.memory_space<hbm>>
      %dma_start3A_796 = tpu.memref_squeeze %dma_start3A_795 : memref<1x8x1x28x28xf32, #tpu.memory_space<hbm>> -> memref<8x28x28xf32, #tpu.memory_space<hbm>>
      tpu.enqueue_dma source(%dma_start3A_796 : memref<8x28x28xf32, #tpu.memory_space<hbm>>) target(%dma_start3A_792 : memref<8x28x28xf32, #tpu.memory_space<vmem>>) target_semaphore(%arg5 : memref<!tpu.dma_semaphore, #tpu.memory_space<semaphore_mem>>)
      %mul3A_797 = arith.constant 3 : i32
      %mul3A_798 = arith.muli %scan3A_288, %mul3A_797 : i32
      %add3A_799 = arith.constant 1 : i32
      %add3A_800 = arith.addi %mul3A_798, %add3A_799 : i32
      %jit3A_801 = arith.constant 24 : i32
      %div3A_802 = arith.divsi %add3A_800, %jit3A_801 : i32
      %sign3A_803 = arith.constant 0 : i32
      %sign3A_804 = arith.cmpi sgt, %add3A_800, %sign3A_803 : i32
      %sign3A_805 = arith.extui %sign3A_804 : i1 to i32
      %sign3A_806 = arith.constant 0 : i32
      %sign3A_807 = arith.cmpi slt, %add3A_800, %sign3A_806 : i32
      %sign3A_808 = arith.extui %sign3A_807 : i1 to i32
      %sign3A_809 = arith.subi %sign3A_805, %sign3A_808 : i32
      %sign3A_810 = arith.constant 0 : i32
      %sign3A_811 = arith.cmpi sgt, %jit3A_801, %sign3A_810 : i32
      %sign3A_812 = arith.extui %sign3A_811 : i1 to i32
      %sign3A_813 = arith.constant 0 : i32
      %sign3A_814 = arith.cmpi slt, %jit3A_801, %sign3A_813 : i32
      %sign3A_815 = arith.extui %sign3A_814 : i1 to i32
      %sign3A_816 = arith.subi %sign3A_812, %sign3A_815 : i32
      %ne3A_817 = arith.cmpi ne, %sign3A_809, %sign3A_816 : i32
      %rem3A_818 = arith.remsi %add3A_800, %jit3A_801 : i32
      %ne3A_819 = arith.constant 0 : i32
      %ne3A_820 = arith.cmpi ne, %rem3A_818, %ne3A_819 : i32
      %and3A_821 = arith.andi %ne3A_817, %ne3A_820 : i1
      %sub3A_822 = arith.constant 1 : i32
      %sub3A_823 = arith.subi %div3A_802, %sub3A_822 : i32
      %select_n3A_824 = arith.select %and3A_821, %sub3A_823, %div3A_802 : i32
      %add3A_825 = arith.addi %mul3A_2, %select_n3A_824 : i32
      %jit3A_826 = arith.constant 24 : i32
      %eq3A_827 = arith.constant 0 : i32
      %eq3A_828 = arith.cmpi eq, %jit3A_826, %eq3A_827 : i32
      %jit3A_829 = arith.constant 1 : i32
      %select_n3A_830 = arith.select %eq3A_828, %jit3A_829, %jit3A_826 : i32
      %rem3A_831 = arith.remsi %add3A_800, %select_n3A_830 : i32
      %ne3A_832 = arith.constant 0 : i32
      %ne3A_833 = arith.cmpi ne, %rem3A_831, %ne3A_832 : i32
      %lt3A_834 = arith.constant 0 : i32
      %lt3A_835 = arith.cmpi slt, %rem3A_831, %lt3A_834 : i32
      %lt3A_836 = arith.constant 0 : i32
      %lt3A_837 = arith.cmpi slt, %select_n3A_830, %lt3A_836 : i32
      %ne3A_838 = arith.xori %lt3A_835, %lt3A_837 : i1
      %and3A_839 = arith.andi %ne3A_838, %ne3A_833 : i1
      %add3A_840 = arith.addi %rem3A_831, %select_n3A_830 : i32
      %select_n3A_841 = arith.select %and3A_839, %add3A_840, %rem3A_831 : i32
      %mul3A_842 = arith.constant 8 : i32
      %mul3A_843 = arith.muli %select_n3A_841, %mul3A_842 : i32
      %dma_wait3A_844 = arith.constant 1 : i32
      %dma_wait3A_845 = arith.constant 0 : i32
      %dma_wait3A_846 = arith.constant 0 : i32
      %dma_wait3A_847 = arith.constant 0 : i32
      %dma_wait3A_848 = tpu.memref_slice %arg4[%dma_wait3A_844, %dma_wait3A_845, %dma_wait3A_846, %dma_wait3A_847] : memref<3x8x28x28xf32, #tpu.memory_space<vmem>> -> memref<1x8x28x28xf32, #tpu.memory_space<vmem>>
      %dma_wait3A_849 = tpu.memref_squeeze %dma_wait3A_848 : memref<1x8x28x28xf32, #tpu.memory_space<vmem>> -> memref<8x28x28xf32, #tpu.memory_space<vmem>>
      %dma_wait3A_850 = arith.constant 0 : i32
      %dma_wait3A_851 = arith.constant 0 : i32
      %dma_wait3A_852 = tpu.memref_slice %arg3[%add3A_825, %mul3A_843, %dma_wait3A_850, %dma_wait3A_851] : memref<128x192x28x28xf32, #tpu.memory_space<hbm>> -> memref<1x8x28x28xf32, #tpu.memory_space<hbm>>
      %dma_wait3A_853 = tpu.memref_squeeze %dma_wait3A_852 : memref<1x8x28x28xf32, #tpu.memory_space<hbm>> -> memref<8x28x28xf32, #tpu.memory_space<hbm>>
      %dma_wait3A_854 = arith.constant 0 : i32
      %dma_wait3A_855 = arith.constant 0 : i32
      %dma_wait3A_856 = tpu.memref_slice %arg3[%add3A_825, %mul3A_843, %dma_wait3A_854, %dma_wait3A_855] : memref<128x192x28x28xf32, #tpu.memory_space<hbm>> -> memref<1x8x28x28xf32, #tpu.memory_space<hbm>>
      %dma_wait3A_857 = tpu.memref_squeeze %dma_wait3A_856 : memref<1x8x28x28xf32, #tpu.memory_space<hbm>> -> memref<8x28x28xf32, #tpu.memory_space<hbm>>
      %dma_wait3A_858 = arith.constant 0 : i32
      %dma_wait3A_859 = arith.constant 0 : i32
      %dma_wait3A_860 = arith.constant 0 : i32
      %dma_wait3A_861 = tpu.memref_slice %arg4[%dma_wait3A_844, %dma_wait3A_858, %dma_wait3A_859, %dma_wait3A_860] : memref<3x8x28x28xf32, #tpu.memory_space<vmem>> -> memref<1x8x28x28xf32, #tpu.memory_space<vmem>>
      %dma_wait3A_862 = tpu.memref_squeeze %dma_wait3A_861 : memref<1x8x28x28xf32, #tpu.memory_space<vmem>> -> memref<8x28x28xf32, #tpu.memory_space<vmem>>
      tpu.wait_dma2 semaphore(%arg9 : memref<!tpu.dma_semaphore, #tpu.memory_space<semaphore_mem>>) src(%dma_wait3A_862 : memref<8x28x28xf32, #tpu.memory_space<vmem>>) dst(%dma_wait3A_857 : memref<8x28x28xf32, #tpu.memory_space<hbm>>)
      %add3A_863 = arith.constant 3 : i32
      %add3A_864 = arith.addi %add3A_800, %add3A_863 : i32
      %jit3A_865 = arith.constant 24 : i32
      %div3A_866 = arith.divsi %add3A_864, %jit3A_865 : i32
      %sign3A_867 = arith.constant 0 : i32
      %sign3A_868 = arith.cmpi sgt, %add3A_864, %sign3A_867 : i32
      %sign3A_869 = arith.extui %sign3A_868 : i1 to i32
      %sign3A_870 = arith.constant 0 : i32
      %sign3A_871 = arith.cmpi slt, %add3A_864, %sign3A_870 : i32
      %sign3A_872 = arith.extui %sign3A_871 : i1 to i32
      %sign3A_873 = arith.subi %sign3A_869, %sign3A_872 : i32
      %sign3A_874 = arith.constant 0 : i32
      %sign3A_875 = arith.cmpi sgt, %jit3A_865, %sign3A_874 : i32
      %sign3A_876 = arith.extui %sign3A_875 : i1 to i32
      %sign3A_877 = arith.constant 0 : i32
      %sign3A_878 = arith.cmpi slt, %jit3A_865, %sign3A_877 : i32
      %sign3A_879 = arith.extui %sign3A_878 : i1 to i32
      %sign3A_880 = arith.subi %sign3A_876, %sign3A_879 : i32
      %ne3A_881 = arith.cmpi ne, %sign3A_873, %sign3A_880 : i32
      %rem3A_882 = arith.remsi %add3A_864, %jit3A_865 : i32
      %ne3A_883 = arith.constant 0 : i32
      %ne3A_884 = arith.cmpi ne, %rem3A_882, %ne3A_883 : i32
      %and3A_885 = arith.andi %ne3A_881, %ne3A_884 : i1
      %sub3A_886 = arith.constant 1 : i32
      %sub3A_887 = arith.subi %div3A_866, %sub3A_886 : i32
      %select_n3A_888 = arith.select %and3A_885, %sub3A_887, %div3A_866 : i32
      %add3A_889 = arith.addi %mul3A_2, %select_n3A_888 : i32
      %jit3A_890 = arith.constant 24 : i32
      %eq3A_891 = arith.constant 0 : i32
      %eq3A_892 = arith.cmpi eq, %jit3A_890, %eq3A_891 : i32
      %jit3A_893 = arith.constant 1 : i32
      %select_n3A_894 = arith.select %eq3A_892, %jit3A_893, %jit3A_890 : i32
      %rem3A_895 = arith.remsi %add3A_864, %select_n3A_894 : i32
      %ne3A_896 = arith.constant 0 : i32
      %ne3A_897 = arith.cmpi ne, %rem3A_895, %ne3A_896 : i32
      %lt3A_898 = arith.constant 0 : i32
      %lt3A_899 = arith.cmpi slt, %rem3A_895, %lt3A_898 : i32
      %lt3A_900 = arith.constant 0 : i32
      %lt3A_901 = arith.cmpi slt, %select_n3A_894, %lt3A_900 : i32
      %ne3A_902 = arith.xori %lt3A_899, %lt3A_901 : i1
      %and3A_903 = arith.andi %ne3A_902, %ne3A_897 : i1
      %add3A_904 = arith.addi %rem3A_895, %select_n3A_894 : i32
      %select_n3A_905 = arith.select %and3A_903, %add3A_904, %rem3A_895 : i32
      %mul3A_906 = arith.constant 8 : i32
      %mul3A_907 = arith.muli %select_n3A_905, %mul3A_906 : i32
      %dma_start3A_908 = arith.constant 0 : i32
      %dma_start3A_909 = arith.constant 1 : i32
      %dma_start3A_910 = arith.constant 0 : i32
      %dma_start3A_911 = arith.constant 0 : i32
      %dma_start3A_912 = arith.constant 0 : i32
      %dma_start3A_913 = tpu.memref_slice %arg4[%dma_start3A_909, %dma_start3A_910, %dma_start3A_911, %dma_start3A_912] : memref<3x8x28x28xf32, #tpu.memory_space<vmem>> -> memref<1x8x28x28xf32, #tpu.memory_space<vmem>>
      %dma_start3A_914 = tpu.memref_squeeze %dma_start3A_913 : memref<1x8x28x28xf32, #tpu.memory_space<vmem>> -> memref<8x28x28xf32, #tpu.memory_space<vmem>>
      %dma_start3A_915 = arith.constant 0 : i32
      %dma_start3A_916 = arith.constant 0 : i32
      %dma_start3A_917 = tpu.memref_slice %arg2[%add3A_889, %mul3A_907, %dma_start3A_908, %dma_start3A_915, %dma_start3A_916] : memref<128x192x2x28x28xf32, #tpu.memory_space<hbm>> -> memref<1x8x1x28x28xf32, #tpu.memory_space<hbm>>
      %dma_start3A_918 = tpu.memref_squeeze %dma_start3A_917 : memref<1x8x1x28x28xf32, #tpu.memory_space<hbm>> -> memref<8x28x28xf32, #tpu.memory_space<hbm>>
      %dma_start3A_919 = arith.constant 0 : i32
      %dma_start3A_920 = arith.constant 0 : i32
      %dma_start3A_921 = arith.constant 0 : i32
      %dma_start3A_922 = tpu.memref_slice %arg4[%dma_start3A_909, %dma_start3A_919, %dma_start3A_920, %dma_start3A_921] : memref<3x8x28x28xf32, #tpu.memory_space<vmem>> -> memref<1x8x28x28xf32, #tpu.memory_space<vmem>>
      %dma_start3A_923 = tpu.memref_squeeze %dma_start3A_922 : memref<1x8x28x28xf32, #tpu.memory_space<vmem>> -> memref<8x28x28xf32, #tpu.memory_space<vmem>>
      %dma_start3A_924 = arith.constant 0 : i32
      %dma_start3A_925 = arith.constant 0 : i32
      %dma_start3A_926 = tpu.memref_slice %arg2[%add3A_889, %mul3A_907, %dma_start3A_908, %dma_start3A_924, %dma_start3A_925] : memref<128x192x2x28x28xf32, #tpu.memory_space<hbm>> -> memref<1x8x1x28x28xf32, #tpu.memory_space<hbm>>
      %dma_start3A_927 = tpu.memref_squeeze %dma_start3A_926 : memref<1x8x1x28x28xf32, #tpu.memory_space<hbm>> -> memref<8x28x28xf32, #tpu.memory_space<hbm>>
      tpu.enqueue_dma source(%dma_start3A_927 : memref<8x28x28xf32, #tpu.memory_space<hbm>>) target(%dma_start3A_923 : memref<8x28x28xf32, #tpu.memory_space<vmem>>) target_semaphore(%arg6 : memref<!tpu.dma_semaphore, #tpu.memory_space<semaphore_mem>>)
      %mul3A_928 = arith.constant 3 : i32
      %mul3A_929 = arith.muli %scan3A_288, %mul3A_928 : i32
      %add3A_930 = arith.constant 2 : i32
      %add3A_931 = arith.addi %mul3A_929, %add3A_930 : i32
      %jit3A_932 = arith.constant 24 : i32
      %div3A_933 = arith.divsi %add3A_931, %jit3A_932 : i32
      %sign3A_934 = arith.constant 0 : i32
      %sign3A_935 = arith.cmpi sgt, %add3A_931, %sign3A_934 : i32
      %sign3A_936 = arith.extui %sign3A_935 : i1 to i32
      %sign3A_937 = arith.constant 0 : i32
      %sign3A_938 = arith.cmpi slt, %add3A_931, %sign3A_937 : i32
      %sign3A_939 = arith.extui %sign3A_938 : i1 to i32
      %sign3A_940 = arith.subi %sign3A_936, %sign3A_939 : i32
      %sign3A_941 = arith.constant 0 : i32
      %sign3A_942 = arith.cmpi sgt, %jit3A_932, %sign3A_941 : i32
      %sign3A_943 = arith.extui %sign3A_942 : i1 to i32
      %sign3A_944 = arith.constant 0 : i32
      %sign3A_945 = arith.cmpi slt, %jit3A_932, %sign3A_944 : i32
      %sign3A_946 = arith.extui %sign3A_945 : i1 to i32
      %sign3A_947 = arith.subi %sign3A_943, %sign3A_946 : i32
      %ne3A_948 = arith.cmpi ne, %sign3A_940, %sign3A_947 : i32
      %rem3A_949 = arith.remsi %add3A_931, %jit3A_932 : i32
      %ne3A_950 = arith.constant 0 : i32
      %ne3A_951 = arith.cmpi ne, %rem3A_949, %ne3A_950 : i32
      %and3A_952 = arith.andi %ne3A_948, %ne3A_951 : i1
      %sub3A_953 = arith.constant 1 : i32
      %sub3A_954 = arith.subi %div3A_933, %sub3A_953 : i32
      %select_n3A_955 = arith.select %and3A_952, %sub3A_954, %div3A_933 : i32
      %add3A_956 = arith.addi %mul3A_2, %select_n3A_955 : i32
      %jit3A_957 = arith.constant 24 : i32
      %eq3A_958 = arith.constant 0 : i32
      %eq3A_959 = arith.cmpi eq, %jit3A_957, %eq3A_958 : i32
      %jit3A_960 = arith.constant 1 : i32
      %select_n3A_961 = arith.select %eq3A_959, %jit3A_960, %jit3A_957 : i32
      %rem3A_962 = arith.remsi %add3A_931, %select_n3A_961 : i32
      %ne3A_963 = arith.constant 0 : i32
      %ne3A_964 = arith.cmpi ne, %rem3A_962, %ne3A_963 : i32
      %lt3A_965 = arith.constant 0 : i32
      %lt3A_966 = arith.cmpi slt, %rem3A_962, %lt3A_965 : i32
      %lt3A_967 = arith.constant 0 : i32
      %lt3A_968 = arith.cmpi slt, %select_n3A_961, %lt3A_967 : i32
      %ne3A_969 = arith.xori %lt3A_966, %lt3A_968 : i1
      %and3A_970 = arith.andi %ne3A_969, %ne3A_964 : i1
      %add3A_971 = arith.addi %rem3A_962, %select_n3A_961 : i32
      %select_n3A_972 = arith.select %and3A_970, %add3A_971, %rem3A_962 : i32
      %mul3A_973 = arith.constant 8 : i32
      %mul3A_974 = arith.muli %select_n3A_972, %mul3A_973 : i32
      %dma_wait3A_975 = arith.constant 2 : i32
      %dma_wait3A_976 = arith.constant 0 : i32
      %dma_wait3A_977 = arith.constant 0 : i32
      %dma_wait3A_978 = arith.constant 0 : i32
      %dma_wait3A_979 = tpu.memref_slice %arg4[%dma_wait3A_975, %dma_wait3A_976, %dma_wait3A_977, %dma_wait3A_978] : memref<3x8x28x28xf32, #tpu.memory_space<vmem>> -> memref<1x8x28x28xf32, #tpu.memory_space<vmem>>
      %dma_wait3A_980 = tpu.memref_squeeze %dma_wait3A_979 : memref<1x8x28x28xf32, #tpu.memory_space<vmem>> -> memref<8x28x28xf32, #tpu.memory_space<vmem>>
      %dma_wait3A_981 = arith.constant 0 : i32
      %dma_wait3A_982 = arith.constant 0 : i32
      %dma_wait3A_983 = tpu.memref_slice %arg3[%add3A_956, %mul3A_974, %dma_wait3A_981, %dma_wait3A_982] : memref<128x192x28x28xf32, #tpu.memory_space<hbm>> -> memref<1x8x28x28xf32, #tpu.memory_space<hbm>>
      %dma_wait3A_984 = tpu.memref_squeeze %dma_wait3A_983 : memref<1x8x28x28xf32, #tpu.memory_space<hbm>> -> memref<8x28x28xf32, #tpu.memory_space<hbm>>
      %dma_wait3A_985 = arith.constant 0 : i32
      %dma_wait3A_986 = arith.constant 0 : i32
      %dma_wait3A_987 = tpu.memref_slice %arg3[%add3A_956, %mul3A_974, %dma_wait3A_985, %dma_wait3A_986] : memref<128x192x28x28xf32, #tpu.memory_space<hbm>> -> memref<1x8x28x28xf32, #tpu.memory_space<hbm>>
      %dma_wait3A_988 = tpu.memref_squeeze %dma_wait3A_987 : memref<1x8x28x28xf32, #tpu.memory_space<hbm>> -> memref<8x28x28xf32, #tpu.memory_space<hbm>>
      %dma_wait3A_989 = arith.constant 0 : i32
      %dma_wait3A_990 = arith.constant 0 : i32
      %dma_wait3A_991 = arith.constant 0 : i32
      %dma_wait3A_992 = tpu.memref_slice %arg4[%dma_wait3A_975, %dma_wait3A_989, %dma_wait3A_990, %dma_wait3A_991] : memref<3x8x28x28xf32, #tpu.memory_space<vmem>> -> memref<1x8x28x28xf32, #tpu.memory_space<vmem>>
      %dma_wait3A_993 = tpu.memref_squeeze %dma_wait3A_992 : memref<1x8x28x28xf32, #tpu.memory_space<vmem>> -> memref<8x28x28xf32, #tpu.memory_space<vmem>>
      tpu.wait_dma2 semaphore(%arg10 : memref<!tpu.dma_semaphore, #tpu.memory_space<semaphore_mem>>) src(%dma_wait3A_993 : memref<8x28x28xf32, #tpu.memory_space<vmem>>) dst(%dma_wait3A_988 : memref<8x28x28xf32, #tpu.memory_space<hbm>>)
      %add3A_994 = arith.constant 3 : i32
      %add3A_995 = arith.addi %add3A_931, %add3A_994 : i32
      %jit3A_996 = arith.constant 24 : i32
      %div3A_997 = arith.divsi %add3A_995, %jit3A_996 : i32
      %sign3A_998 = arith.constant 0 : i32
      %sign3A_999 = arith.cmpi sgt, %add3A_995, %sign3A_998 : i32
      %sign3A_1000 = arith.extui %sign3A_999 : i1 to i32
      %sign3A_1001 = arith.constant 0 : i32
      %sign3A_1002 = arith.cmpi slt, %add3A_995, %sign3A_1001 : i32
      %sign3A_1003 = arith.extui %sign3A_1002 : i1 to i32
      %sign3A_1004 = arith.subi %sign3A_1000, %sign3A_1003 : i32
      %sign3A_1005 = arith.constant 0 : i32
      %sign3A_1006 = arith.cmpi sgt, %jit3A_996, %sign3A_1005 : i32
      %sign3A_1007 = arith.extui %sign3A_1006 : i1 to i32
      %sign3A_1008 = arith.constant 0 : i32
      %sign3A_1009 = arith.cmpi slt, %jit3A_996, %sign3A_1008 : i32
      %sign3A_1010 = arith.extui %sign3A_1009 : i1 to i32
      %sign3A_1011 = arith.subi %sign3A_1007, %sign3A_1010 : i32
      %ne3A_1012 = arith.cmpi ne, %sign3A_1004, %sign3A_1011 : i32
      %rem3A_1013 = arith.remsi %add3A_995, %jit3A_996 : i32
      %ne3A_1014 = arith.constant 0 : i32
      %ne3A_1015 = arith.cmpi ne, %rem3A_1013, %ne3A_1014 : i32
      %and3A_1016 = arith.andi %ne3A_1012, %ne3A_1015 : i1
      %sub3A_1017 = arith.constant 1 : i32
      %sub3A_1018 = arith.subi %div3A_997, %sub3A_1017 : i32
      %select_n3A_1019 = arith.select %and3A_1016, %sub3A_1018, %div3A_997 : i32
      %add3A_1020 = arith.addi %mul3A_2, %select_n3A_1019 : i32
      %jit3A_1021 = arith.constant 24 : i32
      %eq3A_1022 = arith.constant 0 : i32
      %eq3A_1023 = arith.cmpi eq, %jit3A_1021, %eq3A_1022 : i32
      %jit3A_1024 = arith.constant 1 : i32
      %select_n3A_1025 = arith.select %eq3A_1023, %jit3A_1024, %jit3A_1021 : i32
      %rem3A_1026 = arith.remsi %add3A_995, %select_n3A_1025 : i32
      %ne3A_1027 = arith.constant 0 : i32
      %ne3A_1028 = arith.cmpi ne, %rem3A_1026, %ne3A_1027 : i32
      %lt3A_1029 = arith.constant 0 : i32
      %lt3A_1030 = arith.cmpi slt, %rem3A_1026, %lt3A_1029 : i32
      %lt3A_1031 = arith.constant 0 : i32
      %lt3A_1032 = arith.cmpi slt, %select_n3A_1025, %lt3A_1031 : i32
      %ne3A_1033 = arith.xori %lt3A_1030, %lt3A_1032 : i1
      %and3A_1034 = arith.andi %ne3A_1033, %ne3A_1028 : i1
      %add3A_1035 = arith.addi %rem3A_1026, %select_n3A_1025 : i32
      %select_n3A_1036 = arith.select %and3A_1034, %add3A_1035, %rem3A_1026 : i32
      %mul3A_1037 = arith.constant 8 : i32
      %mul3A_1038 = arith.muli %select_n3A_1036, %mul3A_1037 : i32
      %dma_start3A_1039 = arith.constant 0 : i32
      %dma_start3A_1040 = arith.constant 2 : i32
      %dma_start3A_1041 = arith.constant 0 : i32
      %dma_start3A_1042 = arith.constant 0 : i32
      %dma_start3A_1043 = arith.constant 0 : i32
      %dma_start3A_1044 = tpu.memref_slice %arg4[%dma_start3A_1040, %dma_start3A_1041, %dma_start3A_1042, %dma_start3A_1043] : memref<3x8x28x28xf32, #tpu.memory_space<vmem>> -> memref<1x8x28x28xf32, #tpu.memory_space<vmem>>
      %dma_start3A_1045 = tpu.memref_squeeze %dma_start3A_1044 : memref<1x8x28x28xf32, #tpu.memory_space<vmem>> -> memref<8x28x28xf32, #tpu.memory_space<vmem>>
      %dma_start3A_1046 = arith.constant 0 : i32
      %dma_start3A_1047 = arith.constant 0 : i32
      %dma_start3A_1048 = tpu.memref_slice %arg2[%add3A_1020, %mul3A_1038, %dma_start3A_1039, %dma_start3A_1046, %dma_start3A_1047] : memref<128x192x2x28x28xf32, #tpu.memory_space<hbm>> -> memref<1x8x1x28x28xf32, #tpu.memory_space<hbm>>
      %dma_start3A_1049 = tpu.memref_squeeze %dma_start3A_1048 : memref<1x8x1x28x28xf32, #tpu.memory_space<hbm>> -> memref<8x28x28xf32, #tpu.memory_space<hbm>>
      %dma_start3A_1050 = arith.constant 0 : i32
      %dma_start3A_1051 = arith.constant 0 : i32
      %dma_start3A_1052 = arith.constant 0 : i32
      %dma_start3A_1053 = tpu.memref_slice %arg4[%dma_start3A_1040, %dma_start3A_1050, %dma_start3A_1051, %dma_start3A_1052] : memref<3x8x28x28xf32, #tpu.memory_space<vmem>> -> memref<1x8x28x28xf32, #tpu.memory_space<vmem>>
      %dma_start3A_1054 = tpu.memref_squeeze %dma_start3A_1053 : memref<1x8x28x28xf32, #tpu.memory_space<vmem>> -> memref<8x28x28xf32, #tpu.memory_space<vmem>>
      %dma_start3A_1055 = arith.constant 0 : i32
      %dma_start3A_1056 = arith.constant 0 : i32
      %dma_start3A_1057 = tpu.memref_slice %arg2[%add3A_1020, %mul3A_1038, %dma_start3A_1039, %dma_start3A_1055, %dma_start3A_1056] : memref<128x192x2x28x28xf32, #tpu.memory_space<hbm>> -> memref<1x8x1x28x28xf32, #tpu.memory_space<hbm>>
      %dma_start3A_1058 = tpu.memref_squeeze %dma_start3A_1057 : memref<1x8x1x28x28xf32, #tpu.memory_space<hbm>> -> memref<8x28x28xf32, #tpu.memory_space<hbm>>
      tpu.enqueue_dma source(%dma_start3A_1058 : memref<8x28x28xf32, #tpu.memory_space<hbm>>) target(%dma_start3A_1054 : memref<8x28x28xf32, #tpu.memory_space<vmem>>) target_semaphore(%arg7 : memref<!tpu.dma_semaphore, #tpu.memory_space<semaphore_mem>>)
    }
    %scan3A_78 = arith.constant 31 : i32
    %add3A_79 = arith.constant 3 : i32
    %add3A_80 = arith.addi %mul3A_2, %add3A_79 : i32
    %dma_wait3A = arith.constant 0 : i32
    %dma_wait3A_81 = arith.constant 0 : i32
    %dma_wait3A_82 = arith.constant 0 : i32
    %dma_wait3A_83 = arith.constant 0 : i32
    %dma_wait3A_84 = arith.constant 0 : i32
    %dma_wait3A_85 = tpu.memref_slice %arg4[%dma_wait3A_81, %dma_wait3A_82, %dma_wait3A_83, %dma_wait3A_84] : memref<3x8x28x28xf32, #tpu.memory_space<vmem>> -> memref<1x8x28x28xf32, #tpu.memory_space<vmem>>
    %dma_wait3A_86 = tpu.memref_squeeze %dma_wait3A_85 : memref<1x8x28x28xf32, #tpu.memory_space<vmem>> -> memref<8x28x28xf32, #tpu.memory_space<vmem>>
    %dma_wait3A_87 = arith.constant 168 : i32
    %dma_wait3A_88 = arith.constant 0 : i32
    %dma_wait3A_89 = arith.constant 0 : i32
    %dma_wait3A_90 = tpu.memref_slice %arg2[%add3A_80, %dma_wait3A_87, %dma_wait3A, %dma_wait3A_88, %dma_wait3A_89] : memref<128x192x2x28x28xf32, #tpu.memory_space<hbm>> -> memref<1x8x1x28x28xf32, #tpu.memory_space<hbm>>
    %dma_wait3A_91 = tpu.memref_squeeze %dma_wait3A_90 : memref<1x8x1x28x28xf32, #tpu.memory_space<hbm>> -> memref<8x28x28xf32, #tpu.memory_space<hbm>>
    %dma_wait3A_92 = arith.constant 0 : i32
    %dma_wait3A_93 = arith.constant 0 : i32
    %dma_wait3A_94 = arith.constant 0 : i32
    %dma_wait3A_95 = tpu.memref_slice %arg4[%dma_wait3A_81, %dma_wait3A_92, %dma_wait3A_93, %dma_wait3A_94] : memref<3x8x28x28xf32, #tpu.memory_space<vmem>> -> memref<1x8x28x28xf32, #tpu.memory_space<vmem>>
    %dma_wait3A_96 = tpu.memref_squeeze %dma_wait3A_95 : memref<1x8x28x28xf32, #tpu.memory_space<vmem>> -> memref<8x28x28xf32, #tpu.memory_space<vmem>>
    %dma_wait3A_97 = arith.constant 168 : i32
    %dma_wait3A_98 = arith.constant 0 : i32
    %dma_wait3A_99 = arith.constant 0 : i32
    %dma_wait3A_100 = tpu.memref_slice %arg2[%add3A_80, %dma_wait3A_97, %dma_wait3A, %dma_wait3A_98, %dma_wait3A_99] : memref<128x192x2x28x28xf32, #tpu.memory_space<hbm>> -> memref<1x8x1x28x28xf32, #tpu.memory_space<hbm>>
    %dma_wait3A_101 = tpu.memref_squeeze %dma_wait3A_100 : memref<1x8x1x28x28xf32, #tpu.memory_space<hbm>> -> memref<8x28x28xf32, #tpu.memory_space<hbm>>
    tpu.wait_dma2 semaphore(%arg5 : memref<!tpu.dma_semaphore, #tpu.memory_space<semaphore_mem>>) src(%dma_wait3A_101 : memref<8x28x28xf32, #tpu.memory_space<hbm>>) dst(%dma_wait3A_96 : memref<8x28x28xf32, #tpu.memory_space<vmem>>)
    %add3A_102 = arith.constant 3 : i32
    %add3A_103 = arith.addi %mul3A_2, %add3A_102 : i32
    %dma_start3A_104 = arith.constant 0 : i32
    %dma_start3A_105 = arith.constant 0 : i32
    %dma_start3A_106 = arith.constant 0 : i32
    %dma_start3A_107 = arith.constant 0 : i32
    %dma_start3A_108 = tpu.memref_slice %arg4[%dma_start3A_104, %dma_start3A_105, %dma_start3A_106, %dma_start3A_107] : memref<3x8x28x28xf32, #tpu.memory_space<vmem>> -> memref<1x8x28x28xf32, #tpu.memory_space<vmem>>
    %dma_start3A_109 = tpu.memref_squeeze %dma_start3A_108 : memref<1x8x28x28xf32, #tpu.memory_space<vmem>> -> memref<8x28x28xf32, #tpu.memory_space<vmem>>
    %dma_start3A_110 = arith.constant 168 : i32
    %dma_start3A_111 = arith.constant 0 : i32
    %dma_start3A_112 = arith.constant 0 : i32
    %dma_start3A_113 = tpu.memref_slice %arg3[%add3A_103, %dma_start3A_110, %dma_start3A_111, %dma_start3A_112] : memref<128x192x28x28xf32, #tpu.memory_space<hbm>> -> memref<1x8x28x28xf32, #tpu.memory_space<hbm>>
    %dma_start3A_114 = tpu.memref_squeeze %dma_start3A_113 : memref<1x8x28x28xf32, #tpu.memory_space<hbm>> -> memref<8x28x28xf32, #tpu.memory_space<hbm>>
    %dma_start3A_115 = arith.constant 168 : i32
    %dma_start3A_116 = arith.constant 0 : i32
    %dma_start3A_117 = arith.constant 0 : i32
    %dma_start3A_118 = tpu.memref_slice %arg3[%add3A_103, %dma_start3A_115, %dma_start3A_116, %dma_start3A_117] : memref<128x192x28x28xf32, #tpu.memory_space<hbm>> -> memref<1x8x28x28xf32, #tpu.memory_space<hbm>>
    %dma_start3A_119 = tpu.memref_squeeze %dma_start3A_118 : memref<1x8x28x28xf32, #tpu.memory_space<hbm>> -> memref<8x28x28xf32, #tpu.memory_space<hbm>>
    %dma_start3A_120 = arith.constant 0 : i32
    %dma_start3A_121 = arith.constant 0 : i32
    %dma_start3A_122 = arith.constant 0 : i32
    %dma_start3A_123 = tpu.memref_slice %arg4[%dma_start3A_104, %dma_start3A_120, %dma_start3A_121, %dma_start3A_122] : memref<3x8x28x28xf32, #tpu.memory_space<vmem>> -> memref<1x8x28x28xf32, #tpu.memory_space<vmem>>
    %dma_start3A_124 = tpu.memref_squeeze %dma_start3A_123 : memref<1x8x28x28xf32, #tpu.memory_space<vmem>> -> memref<8x28x28xf32, #tpu.memory_space<vmem>>
    tpu.enqueue_dma source(%dma_start3A_124 : memref<8x28x28xf32, #tpu.memory_space<vmem>>) target(%dma_start3A_119 : memref<8x28x28xf32, #tpu.memory_space<hbm>>) target_semaphore(%arg8 : memref<!tpu.dma_semaphore, #tpu.memory_space<semaphore_mem>>)
    %add3A_125 = arith.constant 3 : i32
    %add3A_126 = arith.addi %mul3A_2, %add3A_125 : i32
    %dma_wait3A_127 = arith.constant 0 : i32
    %dma_wait3A_128 = arith.constant 1 : i32
    %dma_wait3A_129 = arith.constant 0 : i32
    %dma_wait3A_130 = arith.constant 0 : i32
    %dma_wait3A_131 = arith.constant 0 : i32
    %dma_wait3A_132 = tpu.memref_slice %arg4[%dma_wait3A_128, %dma_wait3A_129, %dma_wait3A_130, %dma_wait3A_131] : memref<3x8x28x28xf32, #tpu.memory_space<vmem>> -> memref<1x8x28x28xf32, #tpu.memory_space<vmem>>
    %dma_wait3A_133 = tpu.memref_squeeze %dma_wait3A_132 : memref<1x8x28x28xf32, #tpu.memory_space<vmem>> -> memref<8x28x28xf32, #tpu.memory_space<vmem>>
    %dma_wait3A_134 = arith.constant 176 : i32
    %dma_wait3A_135 = arith.constant 0 : i32
    %dma_wait3A_136 = arith.constant 0 : i32
    %dma_wait3A_137 = tpu.memref_slice %arg2[%add3A_126, %dma_wait3A_134, %dma_wait3A_127, %dma_wait3A_135, %dma_wait3A_136] : memref<128x192x2x28x28xf32, #tpu.memory_space<hbm>> -> memref<1x8x1x28x28xf32, #tpu.memory_space<hbm>>
    %dma_wait3A_138 = tpu.memref_squeeze %dma_wait3A_137 : memref<1x8x1x28x28xf32, #tpu.memory_space<hbm>> -> memref<8x28x28xf32, #tpu.memory_space<hbm>>
    %dma_wait3A_139 = arith.constant 0 : i32
    %dma_wait3A_140 = arith.constant 0 : i32
    %dma_wait3A_141 = arith.constant 0 : i32
    %dma_wait3A_142 = tpu.memref_slice %arg4[%dma_wait3A_128, %dma_wait3A_139, %dma_wait3A_140, %dma_wait3A_141] : memref<3x8x28x28xf32, #tpu.memory_space<vmem>> -> memref<1x8x28x28xf32, #tpu.memory_space<vmem>>
    %dma_wait3A_143 = tpu.memref_squeeze %dma_wait3A_142 : memref<1x8x28x28xf32, #tpu.memory_space<vmem>> -> memref<8x28x28xf32, #tpu.memory_space<vmem>>
    %dma_wait3A_144 = arith.constant 176 : i32
    %dma_wait3A_145 = arith.constant 0 : i32
    %dma_wait3A_146 = arith.constant 0 : i32
    %dma_wait3A_147 = tpu.memref_slice %arg2[%add3A_126, %dma_wait3A_144, %dma_wait3A_127, %dma_wait3A_145, %dma_wait3A_146] : memref<128x192x2x28x28xf32, #tpu.memory_space<hbm>> -> memref<1x8x1x28x28xf32, #tpu.memory_space<hbm>>
    %dma_wait3A_148 = tpu.memref_squeeze %dma_wait3A_147 : memref<1x8x1x28x28xf32, #tpu.memory_space<hbm>> -> memref<8x28x28xf32, #tpu.memory_space<hbm>>
    tpu.wait_dma2 semaphore(%arg6 : memref<!tpu.dma_semaphore, #tpu.memory_space<semaphore_mem>>) src(%dma_wait3A_148 : memref<8x28x28xf32, #tpu.memory_space<hbm>>) dst(%dma_wait3A_143 : memref<8x28x28xf32, #tpu.memory_space<vmem>>)
    %add3A_149 = arith.constant 3 : i32
    %add3A_150 = arith.addi %mul3A_2, %add3A_149 : i32
    %dma_start3A_151 = arith.constant 1 : i32
    %dma_start3A_152 = arith.constant 0 : i32
    %dma_start3A_153 = arith.constant 0 : i32
    %dma_start3A_154 = arith.constant 0 : i32
    %dma_start3A_155 = tpu.memref_slice %arg4[%dma_start3A_151, %dma_start3A_152, %dma_start3A_153, %dma_start3A_154] : memref<3x8x28x28xf32, #tpu.memory_space<vmem>> -> memref<1x8x28x28xf32, #tpu.memory_space<vmem>>
    %dma_start3A_156 = tpu.memref_squeeze %dma_start3A_155 : memref<1x8x28x28xf32, #tpu.memory_space<vmem>> -> memref<8x28x28xf32, #tpu.memory_space<vmem>>
    %dma_start3A_157 = arith.constant 176 : i32
    %dma_start3A_158 = arith.constant 0 : i32
    %dma_start3A_159 = arith.constant 0 : i32
    %dma_start3A_160 = tpu.memref_slice %arg3[%add3A_150, %dma_start3A_157, %dma_start3A_158, %dma_start3A_159] : memref<128x192x28x28xf32, #tpu.memory_space<hbm>> -> memref<1x8x28x28xf32, #tpu.memory_space<hbm>>
    %dma_start3A_161 = tpu.memref_squeeze %dma_start3A_160 : memref<1x8x28x28xf32, #tpu.memory_space<hbm>> -> memref<8x28x28xf32, #tpu.memory_space<hbm>>
    %dma_start3A_162 = arith.constant 176 : i32
    %dma_start3A_163 = arith.constant 0 : i32
    %dma_start3A_164 = arith.constant 0 : i32
    %dma_start3A_165 = tpu.memref_slice %arg3[%add3A_150, %dma_start3A_162, %dma_start3A_163, %dma_start3A_164] : memref<128x192x28x28xf32, #tpu.memory_space<hbm>> -> memref<1x8x28x28xf32, #tpu.memory_space<hbm>>
    %dma_start3A_166 = tpu.memref_squeeze %dma_start3A_165 : memref<1x8x28x28xf32, #tpu.memory_space<hbm>> -> memref<8x28x28xf32, #tpu.memory_space<hbm>>
    %dma_start3A_167 = arith.constant 0 : i32
    %dma_start3A_168 = arith.constant 0 : i32
    %dma_start3A_169 = arith.constant 0 : i32
    %dma_start3A_170 = tpu.memref_slice %arg4[%dma_start3A_151, %dma_start3A_167, %dma_start3A_168, %dma_start3A_169] : memref<3x8x28x28xf32, #tpu.memory_space<vmem>> -> memref<1x8x28x28xf32, #tpu.memory_space<vmem>>
    %dma_start3A_171 = tpu.memref_squeeze %dma_start3A_170 : memref<1x8x28x28xf32, #tpu.memory_space<vmem>> -> memref<8x28x28xf32, #tpu.memory_space<vmem>>
    tpu.enqueue_dma source(%dma_start3A_171 : memref<8x28x28xf32, #tpu.memory_space<vmem>>) target(%dma_start3A_166 : memref<8x28x28xf32, #tpu.memory_space<hbm>>) target_semaphore(%arg9 : memref<!tpu.dma_semaphore, #tpu.memory_space<semaphore_mem>>)
    %add3A_172 = arith.constant 3 : i32
    %add3A_173 = arith.addi %mul3A_2, %add3A_172 : i32
    %dma_wait3A_174 = arith.constant 0 : i32
    %dma_wait3A_175 = arith.constant 2 : i32
    %dma_wait3A_176 = arith.constant 0 : i32
    %dma_wait3A_177 = arith.constant 0 : i32
    %dma_wait3A_178 = arith.constant 0 : i32
    %dma_wait3A_179 = tpu.memref_slice %arg4[%dma_wait3A_175, %dma_wait3A_176, %dma_wait3A_177, %dma_wait3A_178] : memref<3x8x28x28xf32, #tpu.memory_space<vmem>> -> memref<1x8x28x28xf32, #tpu.memory_space<vmem>>
    %dma_wait3A_180 = tpu.memref_squeeze %dma_wait3A_179 : memref<1x8x28x28xf32, #tpu.memory_space<vmem>> -> memref<8x28x28xf32, #tpu.memory_space<vmem>>
    %dma_wait3A_181 = arith.constant 184 : i32
    %dma_wait3A_182 = arith.constant 0 : i32
    %dma_wait3A_183 = arith.constant 0 : i32
    %dma_wait3A_184 = tpu.memref_slice %arg2[%add3A_173, %dma_wait3A_181, %dma_wait3A_174, %dma_wait3A_182, %dma_wait3A_183] : memref<128x192x2x28x28xf32, #tpu.memory_space<hbm>> -> memref<1x8x1x28x28xf32, #tpu.memory_space<hbm>>
    %dma_wait3A_185 = tpu.memref_squeeze %dma_wait3A_184 : memref<1x8x1x28x28xf32, #tpu.memory_space<hbm>> -> memref<8x28x28xf32, #tpu.memory_space<hbm>>
    %dma_wait3A_186 = arith.constant 0 : i32
    %dma_wait3A_187 = arith.constant 0 : i32
    %dma_wait3A_188 = arith.constant 0 : i32
    %dma_wait3A_189 = tpu.memref_slice %arg4[%dma_wait3A_175, %dma_wait3A_186, %dma_wait3A_187, %dma_wait3A_188] : memref<3x8x28x28xf32, #tpu.memory_space<vmem>> -> memref<1x8x28x28xf32, #tpu.memory_space<vmem>>
    %dma_wait3A_190 = tpu.memref_squeeze %dma_wait3A_189 : memref<1x8x28x28xf32, #tpu.memory_space<vmem>> -> memref<8x28x28xf32, #tpu.memory_space<vmem>>
    %dma_wait3A_191 = arith.constant 184 : i32
    %dma_wait3A_192 = arith.constant 0 : i32
    %dma_wait3A_193 = arith.constant 0 : i32
    %dma_wait3A_194 = tpu.memref_slice %arg2[%add3A_173, %dma_wait3A_191, %dma_wait3A_174, %dma_wait3A_192, %dma_wait3A_193] : memref<128x192x2x28x28xf32, #tpu.memory_space<hbm>> -> memref<1x8x1x28x28xf32, #tpu.memory_space<hbm>>
    %dma_wait3A_195 = tpu.memref_squeeze %dma_wait3A_194 : memref<1x8x1x28x28xf32, #tpu.memory_space<hbm>> -> memref<8x28x28xf32, #tpu.memory_space<hbm>>
    tpu.wait_dma2 semaphore(%arg7 : memref<!tpu.dma_semaphore, #tpu.memory_space<semaphore_mem>>) src(%dma_wait3A_195 : memref<8x28x28xf32, #tpu.memory_space<hbm>>) dst(%dma_wait3A_190 : memref<8x28x28xf32, #tpu.memory_space<vmem>>)
    %add3A_196 = arith.constant 3 : i32
    %add3A_197 = arith.addi %mul3A_2, %add3A_196 : i32
    %dma_start3A_198 = arith.constant 2 : i32
    %dma_start3A_199 = arith.constant 0 : i32
    %dma_start3A_200 = arith.constant 0 : i32
    %dma_start3A_201 = arith.constant 0 : i32
    %dma_start3A_202 = tpu.memref_slice %arg4[%dma_start3A_198, %dma_start3A_199, %dma_start3A_200, %dma_start3A_201] : memref<3x8x28x28xf32, #tpu.memory_space<vmem>> -> memref<1x8x28x28xf32, #tpu.memory_space<vmem>>
    %dma_start3A_203 = tpu.memref_squeeze %dma_start3A_202 : memref<1x8x28x28xf32, #tpu.memory_space<vmem>> -> memref<8x28x28xf32, #tpu.memory_space<vmem>>
    %dma_start3A_204 = arith.constant 184 : i32
    %dma_start3A_205 = arith.constant 0 : i32
    %dma_start3A_206 = arith.constant 0 : i32
    %dma_start3A_207 = tpu.memref_slice %arg3[%add3A_197, %dma_start3A_204, %dma_start3A_205, %dma_start3A_206] : memref<128x192x28x28xf32, #tpu.memory_space<hbm>> -> memref<1x8x28x28xf32, #tpu.memory_space<hbm>>
    %dma_start3A_208 = tpu.memref_squeeze %dma_start3A_207 : memref<1x8x28x28xf32, #tpu.memory_space<hbm>> -> memref<8x28x28xf32, #tpu.memory_space<hbm>>
    %dma_start3A_209 = arith.constant 184 : i32
    %dma_start3A_210 = arith.constant 0 : i32
    %dma_start3A_211 = arith.constant 0 : i32
    %dma_start3A_212 = tpu.memref_slice %arg3[%add3A_197, %dma_start3A_209, %dma_start3A_210, %dma_start3A_211] : memref<128x192x28x28xf32, #tpu.memory_space<hbm>> -> memref<1x8x28x28xf32, #tpu.memory_space<hbm>>
    %dma_start3A_213 = tpu.memref_squeeze %dma_start3A_212 : memref<1x8x28x28xf32, #tpu.memory_space<hbm>> -> memref<8x28x28xf32, #tpu.memory_space<hbm>>
    %dma_start3A_214 = arith.constant 0 : i32
    %dma_start3A_215 = arith.constant 0 : i32
    %dma_start3A_216 = arith.constant 0 : i32
    %dma_start3A_217 = tpu.memref_slice %arg4[%dma_start3A_198, %dma_start3A_214, %dma_start3A_215, %dma_start3A_216] : memref<3x8x28x28xf32, #tpu.memory_space<vmem>> -> memref<1x8x28x28xf32, #tpu.memory_space<vmem>>
    %dma_start3A_218 = tpu.memref_squeeze %dma_start3A_217 : memref<1x8x28x28xf32, #tpu.memory_space<vmem>> -> memref<8x28x28xf32, #tpu.memory_space<vmem>>
    tpu.enqueue_dma source(%dma_start3A_218 : memref<8x28x28xf32, #tpu.memory_space<vmem>>) target(%dma_start3A_213 : memref<8x28x28xf32, #tpu.memory_space<hbm>>) target_semaphore(%arg10 : memref<!tpu.dma_semaphore, #tpu.memory_space<semaphore_mem>>)
    %add3A_219 = arith.constant 3 : i32
    %add3A_220 = arith.addi %mul3A_2, %add3A_219 : i32
    %dma_wait3A_221 = arith.constant 0 : i32
    %dma_wait3A_222 = arith.constant 0 : i32
    %dma_wait3A_223 = arith.constant 0 : i32
    %dma_wait3A_224 = arith.constant 0 : i32
    %dma_wait3A_225 = tpu.memref_slice %arg4[%dma_wait3A_221, %dma_wait3A_222, %dma_wait3A_223, %dma_wait3A_224] : memref<3x8x28x28xf32, #tpu.memory_space<vmem>> -> memref<1x8x28x28xf32, #tpu.memory_space<vmem>>
    %dma_wait3A_226 = tpu.memref_squeeze %dma_wait3A_225 : memref<1x8x28x28xf32, #tpu.memory_space<vmem>> -> memref<8x28x28xf32, #tpu.memory_space<vmem>>
    %dma_wait3A_227 = arith.constant 168 : i32
    %dma_wait3A_228 = arith.constant 0 : i32
    %dma_wait3A_229 = arith.constant 0 : i32
    %dma_wait3A_230 = tpu.memref_slice %arg3[%add3A_220, %dma_wait3A_227, %dma_wait3A_228, %dma_wait3A_229] : memref<128x192x28x28xf32, #tpu.memory_space<hbm>> -> memref<1x8x28x28xf32, #tpu.memory_space<hbm>>
    %dma_wait3A_231 = tpu.memref_squeeze %dma_wait3A_230 : memref<1x8x28x28xf32, #tpu.memory_space<hbm>> -> memref<8x28x28xf32, #tpu.memory_space<hbm>>
    %dma_wait3A_232 = arith.constant 168 : i32
    %dma_wait3A_233 = arith.constant 0 : i32
    %dma_wait3A_234 = arith.constant 0 : i32
    %dma_wait3A_235 = tpu.memref_slice %arg3[%add3A_220, %dma_wait3A_232, %dma_wait3A_233, %dma_wait3A_234] : memref<128x192x28x28xf32, #tpu.memory_space<hbm>> -> memref<1x8x28x28xf32, #tpu.memory_space<hbm>>
    %dma_wait3A_236 = tpu.memref_squeeze %dma_wait3A_235 : memref<1x8x28x28xf32, #tpu.memory_space<hbm>> -> memref<8x28x28xf32, #tpu.memory_space<hbm>>
    %dma_wait3A_237 = arith.constant 0 : i32
    %dma_wait3A_238 = arith.constant 0 : i32
    %dma_wait3A_239 = arith.constant 0 : i32
    %dma_wait3A_240 = tpu.memref_slice %arg4[%dma_wait3A_221, %dma_wait3A_237, %dma_wait3A_238, %dma_wait3A_239] : memref<3x8x28x28xf32, #tpu.memory_space<vmem>> -> memref<1x8x28x28xf32, #tpu.memory_space<vmem>>
    %dma_wait3A_241 = tpu.memref_squeeze %dma_wait3A_240 : memref<1x8x28x28xf32, #tpu.memory_space<vmem>> -> memref<8x28x28xf32, #tpu.memory_space<vmem>>
    tpu.wait_dma2 semaphore(%arg8 : memref<!tpu.dma_semaphore, #tpu.memory_space<semaphore_mem>>) src(%dma_wait3A_241 : memref<8x28x28xf32, #tpu.memory_space<vmem>>) dst(%dma_wait3A_236 : memref<8x28x28xf32, #tpu.memory_space<hbm>>)
    %add3A_242 = arith.constant 3 : i32
    %add3A_243 = arith.addi %mul3A_2, %add3A_242 : i32
    %dma_wait3A_244 = arith.constant 1 : i32
    %dma_wait3A_245 = arith.constant 0 : i32
    %dma_wait3A_246 = arith.constant 0 : i32
    %dma_wait3A_247 = arith.constant 0 : i32
    %dma_wait3A_248 = tpu.memref_slice %arg4[%dma_wait3A_244, %dma_wait3A_245, %dma_wait3A_246, %dma_wait3A_247] : memref<3x8x28x28xf32, #tpu.memory_space<vmem>> -> memref<1x8x28x28xf32, #tpu.memory_space<vmem>>
    %dma_wait3A_249 = tpu.memref_squeeze %dma_wait3A_248 : memref<1x8x28x28xf32, #tpu.memory_space<vmem>> -> memref<8x28x28xf32, #tpu.memory_space<vmem>>
    %dma_wait3A_250 = arith.constant 176 : i32
    %dma_wait3A_251 = arith.constant 0 : i32
    %dma_wait3A_252 = arith.constant 0 : i32
    %dma_wait3A_253 = tpu.memref_slice %arg3[%add3A_243, %dma_wait3A_250, %dma_wait3A_251, %dma_wait3A_252] : memref<128x192x28x28xf32, #tpu.memory_space<hbm>> -> memref<1x8x28x28xf32, #tpu.memory_space<hbm>>
    %dma_wait3A_254 = tpu.memref_squeeze %dma_wait3A_253 : memref<1x8x28x28xf32, #tpu.memory_space<hbm>> -> memref<8x28x28xf32, #tpu.memory_space<hbm>>
    %dma_wait3A_255 = arith.constant 176 : i32
    %dma_wait3A_256 = arith.constant 0 : i32
    %dma_wait3A_257 = arith.constant 0 : i32
    %dma_wait3A_258 = tpu.memref_slice %arg3[%add3A_243, %dma_wait3A_255, %dma_wait3A_256, %dma_wait3A_257] : memref<128x192x28x28xf32, #tpu.memory_space<hbm>> -> memref<1x8x28x28xf32, #tpu.memory_space<hbm>>
    %dma_wait3A_259 = tpu.memref_squeeze %dma_wait3A_258 : memref<1x8x28x28xf32, #tpu.memory_space<hbm>> -> memref<8x28x28xf32, #tpu.memory_space<hbm>>
    %dma_wait3A_260 = arith.constant 0 : i32
    %dma_wait3A_261 = arith.constant 0 : i32
    %dma_wait3A_262 = arith.constant 0 : i32
    %dma_wait3A_263 = tpu.memref_slice %arg4[%dma_wait3A_244, %dma_wait3A_260, %dma_wait3A_261, %dma_wait3A_262] : memref<3x8x28x28xf32, #tpu.memory_space<vmem>> -> memref<1x8x28x28xf32, #tpu.memory_space<vmem>>
    %dma_wait3A_264 = tpu.memref_squeeze %dma_wait3A_263 : memref<1x8x28x28xf32, #tpu.memory_space<vmem>> -> memref<8x28x28xf32, #tpu.memory_space<vmem>>
    tpu.wait_dma2 semaphore(%arg9 : memref<!tpu.dma_semaphore, #tpu.memory_space<semaphore_mem>>) src(%dma_wait3A_264 : memref<8x28x28xf32, #tpu.memory_space<vmem>>) dst(%dma_wait3A_259 : memref<8x28x28xf32, #tpu.memory_space<hbm>>)
    %add3A_265 = arith.constant 3 : i32
    %add3A_266 = arith.addi %mul3A_2, %add3A_265 : i32
    %dma_wait3A_267 = arith.constant 2 : i32
    %dma_wait3A_268 = arith.constant 0 : i32
    %dma_wait3A_269 = arith.constant 0 : i32
    %dma_wait3A_270 = arith.constant 0 : i32
    %dma_wait3A_271 = tpu.memref_slice %arg4[%dma_wait3A_267, %dma_wait3A_268, %dma_wait3A_269, %dma_wait3A_270] : memref<3x8x28x28xf32, #tpu.memory_space<vmem>> -> memref<1x8x28x28xf32, #tpu.memory_space<vmem>>
    %dma_wait3A_272 = tpu.memref_squeeze %dma_wait3A_271 : memref<1x8x28x28xf32, #tpu.memory_space<vmem>> -> memref<8x28x28xf32, #tpu.memory_space<vmem>>
    %dma_wait3A_273 = arith.constant 184 : i32
    %dma_wait3A_274 = arith.constant 0 : i32
    %dma_wait3A_275 = arith.constant 0 : i32
    %dma_wait3A_276 = tpu.memref_slice %arg3[%add3A_266, %dma_wait3A_273, %dma_wait3A_274, %dma_wait3A_275] : memref<128x192x28x28xf32, #tpu.memory_space<hbm>> -> memref<1x8x28x28xf32, #tpu.memory_space<hbm>>
    %dma_wait3A_277 = tpu.memref_squeeze %dma_wait3A_276 : memref<1x8x28x28xf32, #tpu.memory_space<hbm>> -> memref<8x28x28xf32, #tpu.memory_space<hbm>>
    %dma_wait3A_278 = arith.constant 184 : i32
    %dma_wait3A_279 = arith.constant 0 : i32
    %dma_wait3A_280 = arith.constant 0 : i32
    %dma_wait3A_281 = tpu.memref_slice %arg3[%add3A_266, %dma_wait3A_278, %dma_wait3A_279, %dma_wait3A_280] : memref<128x192x28x28xf32, #tpu.memory_space<hbm>> -> memref<1x8x28x28xf32, #tpu.memory_space<hbm>>
    %dma_wait3A_282 = tpu.memref_squeeze %dma_wait3A_281 : memref<1x8x28x28xf32, #tpu.memory_space<hbm>> -> memref<8x28x28xf32, #tpu.memory_space<hbm>>
    %dma_wait3A_283 = arith.constant 0 : i32
    %dma_wait3A_284 = arith.constant 0 : i32
    %dma_wait3A_285 = arith.constant 0 : i32
    %dma_wait3A_286 = tpu.memref_slice %arg4[%dma_wait3A_267, %dma_wait3A_283, %dma_wait3A_284, %dma_wait3A_285] : memref<3x8x28x28xf32, #tpu.memory_space<vmem>> -> memref<1x8x28x28xf32, #tpu.memory_space<vmem>>
    %dma_wait3A_287 = tpu.memref_squeeze %dma_wait3A_286 : memref<1x8x28x28xf32, #tpu.memory_space<vmem>> -> memref<8x28x28xf32, #tpu.memory_space<vmem>>
    tpu.wait_dma2 semaphore(%arg10 : memref<!tpu.dma_semaphore, #tpu.memory_space<semaphore_mem>>) src(%dma_wait3A_287 : memref<8x28x28xf32, #tpu.memory_space<vmem>>) dst(%dma_wait3A_282 : memref<8x28x28xf32, #tpu.memory_space<hbm>>)
    return
  }
}

</mosaic_0001>

<sc_bundles>
// kernel: kernel.3.cloned.1.call-start
scs
__scs_entry_jumppad:
0x0: {  	(pc) =	sbr.rel $0x88, $3  }
0x1: {  	(tag) =	ssettag $0x0;
	lr =	simm.s32 $0x1  }
0x2: {  	[smem:$0x3FA0] =	sst lr;
	_ =	strace $0xD0000000  }
0x3: {  	_ = 	snop  }
0x4: {  	_ = 	snop  }
0x5: {  	_ = 	snop  }
0x6: {  	_ = 	snop  }
0x7: {  	_ = 	snop  }
__scs_overlays_trampoline_lowered:
0x8: {  	[smem:$0x3FAF] =	sst s0  }
0x9: {  	[smem:$0x3FB0] =	sst s1  }
0xa: {  	[smem:$0x3FB1] =	sst s2  }
0xb: {  	[smem:$0x3FB2] =	sst s3  }
0xc: {  	[smem:$0x3FB3] =	sst s4  }
0xd: {  	[smem:$0x3FB4] =	sst s5  }
0xe: {  	[smem:$0x3FB5] =	sst s6  }
0xf: {  	[smem:$0x3FB6] =	sst s7  }
0x10: {  	[smem:$0x3FB7] =	sst s8  }
0x11: {  	[smem:$0x3FB8] =	sst s9;
	s0 =	simm.s32 @!p0 $0x0  }
0x12: {  	s1 =	sld [smem:$0x3F9E];
	s0 =	simm.s32 @p0 $0x1  }
0x13: {  	[smem:$0x3FB9] =	sst s0;
	s0 =	simm.s32 @!p1 $0x0  }
0x14: {  	s2 =	sld [smem:$0x3F9D];
	s0 =	simm.s32 @p1 $0x1  }
0x15: {  	[smem:$0x3FBA] =	sst s0;
	s0 =	simm.s32 @!p2 $0x0  }
0x16: {  	s3 =	sld [smem:$0x3FDB];
	s0 =	simm.s32 @p2 $0x1  }
0x17: {  	s4 =	simm.s32 $0x1BF5;
	[smem:$0x3FBC] =	sst s0  }
0x18: {  	s0 =	sld [smem:$0x3F9F];
	_ =	swait.ge [sflag:s4], $0x0  }
0x19: {  	s7 =	sld [smem:$0x3FA0]  }
0x1a: {  	s8 =	sadd.s32 $0xFFFFE003, lr  }
0x1b: {  	s9 =	sadd.s32 $0xFFFFFEF7, lr;
	s5 =	simm.s32 $0xFFFFFFFF;
	p2 =	slt.u32 s8, $0xFFFFF086  }
0x1c: {  	p1 =	slt.u32 s9, $0xF7A;
	s5 =	simm.s32 @!p2 $0x0  }
0x1d: {  	s5 =	simm.s32 @p1 $0x1;
	p0 =	seq.s32 s7, s2  }
0x1e: {  	s7 =	smul.u32 @!p0 $0xF7A, s2;
	p2 =	seq.s32 @!p0 s5, $0x0  }
0x1f: {  	s9 =	smul.u32 $0xF7A, s1;
	s8 =	simm.s32 @!p0 $0x1BF5;
	p2 =	por !p2, p0  }
0x20: {  	[sflag:s8] =	ssyncset.s32 @!p0 $0xFFFFF086;
	s6 =	sadd.s32 @!p0 s3, s7;
	s7 =	simm.s32 @!p0 $0x108  }
0x21: {  	s3 =	sadd.s32 s3, s9;
	s6 =	sadd.s32 @!p0 $0x88, s6;
	s7 =	simm.s32 @p2 $0x1082  }
0x22: {  	[simem:s7], [sflag:s8] =	dma.local @!p0 [hbm:s6], $0xF7A  }
0x23: {  	s9 =	sor.u32 $0xD0000000, s2;
	s6 =	simm.s32 $0x108;
	_ =	swait.ge @!p0 [sflag:s8], $0x0  }
0x24: {  	s3 =	sadd.s32 $0x88, s3;
	s6 =	simm.s32 @!p1 $0x1082;
	[sflag:s4] =	ssyncset.s32 $0xFFFFF086  }
0x25: {  	[simem:s6], [sflag:s4] =	dma.local [hbm:s3], $0xF7A  }
0x26: {  	[smem:$0x3FA0] =	sst s1;
	(tag) =	ssettag s2;
	_ =	strace s9  }
0x27: {  	s1 =	sld [smem:$0x3FB0]  }
0x28: {  	s2 =	sld [smem:$0x3FB1]  }
0x29: {  	s4 =	sld [smem:$0x3FB3]  }
0x2a: {  	p0 =	seq.s32 s5, $0x0;
	s5 =	sld [smem:$0x3FB4]  }
0x2b: {  	s6 =	sld [smem:$0x3FB5]  }
0x2c: {  	s7 =	sld [smem:$0x3FB6]  }
0x2d: {  	s3 =	simm.s32 $0x108;
	s8 =	sld [smem:$0x3FB7]  }
0x2e: {  	s3 =	simm.s32 @!p0 $0x1082;
	s9 =	sld [smem:$0x3FB8]  }
0x2f: {  	lr =	sadd.s32 s0, s3;
	s0 =	sld [smem:$0x3FAF]  }
0x30: {  	s3 =	sld [smem:$0x3FB2]  }
0x31: {  	[smem:$0x3FBB] =	sst s10  }
0x32: {  	s10 =	sld [smem:$0x3FB9];
	_ =	sdelay $0x3  }
0x33: {  	p0 =	seq.s32 s10, $0x1;
	s10 =	sld [smem:$0x3FBB];
	_ =	sdelay $0x3  }
0x34: {  	[smem:$0x3FBB] =	sst s10  }
0x35: {  	s10 =	sld [smem:$0x3FBA];
	_ =	sdelay $0x3  }
0x36: {  	p1 =	seq.s32 s10, $0x1;
	s10 =	sld [smem:$0x3FBB];
	_ =	sdelay $0x3  }
0x37: {  	[smem:$0x3FBB] =	sst s10  }
0x38: {  	s10 =	sld [smem:$0x3FBC]  }
0x39: {  	_ = 	snop;
	(pc) =	sbr.ind lr, $3  }
0x3a: {  	_ = 	snop  }
0x3b: {  	_ = 	snop  }
0x3c: {  	p2 =	seq.s32 s10, $0x1;
	s10 =	sld [smem:$0x3FBB]  }
0x3d: {  	_ =	shalt  }
0x3e: {  	_ =	shalt  }
0x3f: {  	_ =	shalt  }
0x40: {  	_ =	shalt  }
0x41: {  	_ =	shalt  }
0x42: {  	_ =	shalt  }
0x43: {  	_ =	shalt  }
0x44: {  	_ =	shalt  }
0x45: {  	_ =	shalt  }
0x46: {  	_ =	shalt  }
0x47: {  	_ =	shalt  }
0x48: {  	_ =	shalt  }
0x49: {  	_ =	shalt  }
0x4a: {  	_ =	shalt  }
0x4b: {  	_ =	shalt  }
0x4c: {  	_ =	shalt  }
0x4d: {  	_ =	shalt  }
0x4e: {  	_ =	shalt  }
0x4f: {  	_ =	shalt  }
0x50: {  	_ =	shalt  }
0x51: {  	_ =	shalt  }
0x52: {  	_ =	shalt  }
0x53: {  	_ =	shalt  }
0x54: {  	_ =	shalt  }
0x55: {  	_ =	shalt  }
0x56: {  	_ =	shalt  }
0x57: {  	_ =	shalt  }
0x58: {  	_ =	shalt  }
0x59: {  	_ =	shalt  }
0x5a: {  	_ =	shalt  }
0x5b: {  	_ =	shalt  }
0x5c: {  	_ =	shalt  }
0x5d: {  	_ =	shalt  }
0x5e: {  	_ =	shalt  }
0x5f: {  	_ =	shalt  }
0x60: {  	_ =	shalt  }
0x61: {  	_ =	shalt  }
0x62: {  	_ =	shalt  }
0x63: {  	_ =	shalt  }
0x64: {  	_ =	shalt  }
0x65: {  	_ =	shalt  }
0x66: {  	_ =	shalt  }
0x67: {  	_ =	shalt  }
0x68: {  	_ =	shalt  }
0x69: {  	_ =	shalt  }
0x6a: {  	_ =	shalt  }
0x6b: {  	_ =	shalt  }
0x6c: {  	_ =	shalt  }
0x6d: {  	_ =	shalt  }
0x6e: {  	_ =	shalt  }
0x6f: {  	_ =	shalt  }
0x70: {  	_ =	shalt  }
0x71: {  	_ =	shalt  }
0x72: {  	_ =	shalt  }
0x73: {  	_ =	shalt  }
0x74: {  	_ =	shalt  }
0x75: {  	_ =	shalt  }
0x76: {  	_ =	shalt  }
0x77: {  	_ =	shalt  }
0x78: {  	_ =	shalt  }
0x79: {  	_ =	shalt  }
0x7a: {  	_ =	shalt  }
0x7b: {  	_ =	shalt  }
0x7c: {  	_ =	shalt  }
0x7d: {  	_ =	shalt  }
0x7e: {  	_ =	shalt  }
0x7f: {  	_ =	shalt  }
0x80: {  	_ =	shalt  }
0x81: {  	_ =	shalt  }
0x82: {  	_ =	shalt  }
0x83: {  	_ =	shalt  }
0x84: {  	_ =	shalt  }
0x85: {  	_ =	shalt  }
0x86: {  	_ =	shalt  }
0x87: {  	_ =	shalt  }
.Lfunc_end0:
.L_simem_size_0:
called_computation_lowered:
.L_overlay_start_0:
0x88: {  	s2 =	sld [smem:$0x3FD9]  }
0x89: {  	s3 =	sld [smem:$0x3FFE];
	_ =	sdelay $0x1  }
0x8a: {  	s1 =	srdreg.scid  }
0x8b: {  	s0 =	sand.u32 $0x1, s1  }
0x8c: {  	s16 =	sshll.u32 s0, $0xA;
	s2 =	sadd.s32 s3, s2  }
0x8d: {  	s2 =	sadd.s32 s2, s16  }
0x8e: {  	[smem:$0x3FC7] =	sst s2  }
0x8f: {  	_ = 	snop  }
0x90: {  	(tm) =	ssettm $0x1  }
0x91: {  	s17 =	sld [smem:$0x3FFB];
	_ =	sdelay $0x3  }
0x92: {  	_ =	strace s17  }
0x93: {  	s2 =	sld [smem:$0x3FFC];
	_ =	sdelay $0x3  }
0x94: {  	_ =	strace s2  }
0x95: {  	s2 =	sld [smem:$0x3FFD];
	_ =	sdelay $0x3  }
0x96: {  	_ =	strace s2  }
0x97: {  	_ =	strace $0x8FFFFFFF  }
0x98: {  	s18 =	sld [smem:$0x3FDB];
	_ =	sdelay $0x1  }
0x99: {  	s19 =	simm.s32 $_scs_section_size  }
0x9a: {  	s4 =	simm.s32 $_size__tile_overlayer_lowered;
	s5 =	simm.s32 $_tile_overlayer_lowered  }
0x9b: {  	s22 =	simm.s32 $0x1BFF;
	s21 =	sshll.u32 s5, $0x1;
	s2 =	sadd.s32 s19, s18  }
0x9c: {  	s6 =	simm.s32 $0x0;
	s20 =	sshll.u32 s4, $0x1;
	s4 =	sadd.s32 s21, s2  }
0x9d: {  	[timem:s6], [sflag:s22] =	dma.local [hbm:s4], s20  }
0x9e: {  	_ =	swait.ge [sflag:s22], s20  }
0x9f: {  	s3 =	ssub.s32 $0x0, s20;
	[sflag:s22] =	ssyncset.done $0x0  }
0xa0: {  	[sflag:s22] =	ssyncadd.s32 s3;
	_ =	sdelay $0x1  }
0xa1: {  	s23 =	simm.s32 $0x1B8B  }
0xa2: {  	_ =	swait.ge [sflag:s23], $0x1  }
0xa3: {  	[sflag:s23] =	ssyncset.done $0x0  }
0xa4: {  	s25 =	simm.s32 $0x1B8E;
	s24 =	sld [smem:$0x3FFE];
	[sflag:s23] =	ssyncadd.s32 $0xFFFFFFFF  }
0xa5: {  	s26 =	simm.s32 $execute0_lowered;
	[smem:$0x3FD2] =	sst s25  }
0xa6: {  	s4 =	sshll.u32 s26, $0x1;
	_ =	strace $0x80000046;
	[dreg:$0x1] =	wrdreg $0xFFFFFFFF  }
0xa7: {  	s28 =	simm.s32 $_size_execute0_lowered;
	s2 =	sadd.s32 s2, s4;
	[dreg:$0x0] =	wrdreg $0x0  }
0xa8: {  	s4 =	sshll.u32 s28, $0x1;
	[dreg:$0x2] =	wrdreg s2  }
0xa9: {  	[dreg:$0x3] =	wrdreg s4  }
0xaa: {  	[dreg:$0x4] =	wrdreg $0xC0  }
0xab: {  	_ =	task [dreg:s6], $0x5FFFF  }
0xac: {  	[dreg:$0x1] =	wrdreg $0xFFFFFFFF  }
0xad: {  	[dreg:$0x0] =	wrdreg $0x60  }
0xae: {  	[dreg:$0x2] =	wrdreg s24  }
0xaf: {  	[dreg:$0x3] =	wrdreg $0x9  }
0xb0: {  	_ =	task.clear_ibuf [dreg:s6], $0x4FFFF;
	_ =	strace $0x90000046  }
0xb1: {  	s29 =	simm.s32 $0x9;
	_ =	strace $0x80000048  }
0xb2: {  	_ =	swait.ge [sflag:s29], $0x1  }
0xb3: {  	[sflag:s29] =	ssyncadd.s32 $0xFFFFFFFF  }
0xb4: {  	_ =	strace $0x90000048  }
0xb5: {  	_ =	sfence  }
0xb6: {  	s30 =	sld [smem:$0x0];
	_ =	sdelay $0x2  }
0xb7: {  	s31 =	sshll.u32 s1, $0xD;
	s1 =	sshrl.u32 s1, $0x2  }
0xb8: {  	s3 =	sand.u32 $0x4000, s31;
	s1 =	sadd.s32 s1, s30  }
0xb9: {  	s0 =	sor.u32 s3, s0;
	s1 =	sshll.u32 s1, $0x11  }
0xba: {  	s0 =	sor.u32 s1, s0  }
0xbb: {  	s0 =	sadd.s32 $0x8F2B, s0  }
0xbc: {  	[sflag:s0] =	ssyncadd.remote.s32 $0x1  }
0xbd: {  	_ =	sfence.sel $0xFFFF  }
0xbe: {  	[dreg:$0x0] =	wrdreg $0xFFFFFFFF;
	(pc) =	sbr.abs _section_cstart, $3  }
0xbf: {  	[dreg:$0x1] =	wrdreg $0xFFFFFFFF  }
0xc0: {  	_ =	task.clear_ibuf [dreg:s6], $0x2FFFF;
	_ =	strace $0x9FFFFFFF  }
0xc1: {  	(tm) =	ssettm $0x7FFFFFFF  }
tec
execute0_lowered:
.L_overlay_start_1:
0x0: {  	(tag) =	ssettag $0x1  }
0x1: {  	s0 =	rddreg [dreg:$0x0];
	s1 =	srdreg.scid  }
0x2: {  	s7 =	stileid.u32;
	s2 =	simm.s32 $0x0;
	s1 =	sand.u32 $0x1, s1  }
0x3: {  	s3 =	sshll.u32 s7, $0x3;
	[smem:$0x7FF] =	sst s2;
	s8 =	sadd.s32 $0x400, s0  }
0x4: {  	s20 =	sadd.s32 $0x1800400, s0;
	s15 =	smul.u32 $0x600000, s7;
	s4 =	sshll.u32 s1, $0x2  }
0x5: {  	_ =	strace $0x80000047;
	s19 =	ssub.s32 $0x2, s1;
	s28 =	smul.u32 $0x600000, s1  }
0x6: {  	[dreg:$0x7] =	wrdreg s8;
	s1 =	smul.u32 $0x300000, s1;
	s5 =	sor.u32 s4, s3  }
0x7: {  	[dreg:$0x6] =	wrdreg s20;
	s21 =	sshrl.u32 s19, $0x1;
	s3 =	smul.u32 $0x30000, s5  }
0x8: {  	[dreg:$0x5] =	wrdreg s5;
	s0 =	ssub.s32 s19, s21;
	s19 =	sadd.s32 s1, s15  }
0x9: {  	s0 =	smax.u32 s0, $0x1;
	[dreg:$0x1a] =	wrdreg s19  }
0xa: {  	s8 =	sadd.s32 s8, s3;
	[dreg:$0xe] =	wrdreg s0  }
0xb: {  	s3 =	sadd.s32 $0x2000, s8;
	[dreg:$0x8] =	wrdreg s8  }
0xc: {  	s23 =	sadd.s32 $0x4000, s8;
	[dreg:$0x9] =	wrdreg s3  }
0xd: {  	s6 =	smul.u32 $0xC0000, s5;
	s29 =	sadd.s32 $0x400, s8;
	[dreg:$0xa] =	wrdreg s23  }
0xe: {  	s30 =	sadd.s32 $0x800, s8;
	[dreg:$0xf] =	wrdreg s29  }
0xf: {  	s22 =	sshrl.u32 s6, $0x3;
	s6 =	sadd.s32 $0x1000, s8;
	[dreg:$0x10] =	wrdreg s30  }
0x10: {  	s9 =	sadd.s32 $0x1400, s8;
	[dreg:$0x12] =	wrdreg s6  }
0x11: {  	s11 =	sadd.s32 $0x1800, s8;
	[dreg:$0x13] =	wrdreg s9  }
0x12: {  	s24 =	smul.u32 $0xC00000, s7;
	s12 =	sadd.s32 $0x1C00, s8;
	[dreg:$0x14] =	wrdreg s11  }
0x13: {  	s13 =	sadd.s32 $0x2400, s8;
	[dreg:$0x15] =	wrdreg s12  }
0x14: {  	s5 =	sadd.s32 s28, s24;
	s16 =	sadd.s32 $0x2800, s8;
	[dreg:$0x16] =	wrdreg s13  }
0x15: {  	s0 =	sor.u32 $0x30000, s5;
	s17 =	sadd.s32 $0x2C00, s8;
	[dreg:$0x17] =	wrdreg s16  }
0x16: {  	s0 =	sshrl.u32 s0, $0x3;
	[dreg:$0x18] =	wrdreg s17  }
0x17: {  	s18 =	sadd.s32 $0x3000, s8;
	[dreg:$0x4] =	wrdreg s0  }
0x18: {  	s21 =	sadd.s32 $0x3800, s8;
	[dreg:$0x19] =	wrdreg s18  }
0x19: {  	s24 =	sadd.s32 $0x4800, s8;
	[dreg:$0x1c] =	wrdreg s21  }
0x1a: {  	s28 =	sadd.s32 $0x5400, s8;
	[dreg:$0x1f] =	wrdreg s24  }
0x1b: {  	s3 =	sadd.s32 s20, s22;
	s20 =	sadd.s32 $0x3400, s8;
	[smem:$0x7FB] =	sst s28  }
0x1c: {  	s22 =	sadd.s32 $0x3C00, s8;
	[dreg:$0x1b] =	wrdreg s20  }
0x1d: {  	s23 =	sadd.s32 $0x4400, s8;
	[dreg:$0x1d] =	wrdreg s22  }
0x1e: {  	s29 =	sadd.s32 $0x5800, s8;
	[dreg:$0x1e] =	wrdreg s23  }
0x1f: {  	s30 =	sadd.s32 $0x5C00, s8;
	[smem:$0x7FC] =	sst s29  }
0x20: {  	s25 =	sadd.s32 $0x5D000, s3;
	[smem:$0x7FD] =	sst s30  }
0x21: {  	s26 =	sadd.s32 $0x5E000, s3;
	[dreg:$0xb] =	wrdreg s25  }
0x22: {  	s3 =	sadd.s32 $0x5F000, s3;
	[dreg:$0xc] =	wrdreg s26  }
0x23: {  	[dreg:$0xd] =	wrdreg s3;
	s3 =	sadd.s32 $0xC00, s8  }
0x24: {  	s25 =	sadd.s32 $0x4C00, s8;
	[dreg:$0x11] =	wrdreg s3  }
0x25: {  	s10 =	sor.u32 $0x50000, s5;
	s26 =	sadd.s32 $0x5000, s8;
	[smem:$0x7F9] =	sst s25  }
0x26: {  	s14 =	sor.u32 $0x40000, s5;
	s3 =	sshrl.u32 s10, $0x3;
	[smem:$0x7FA] =	sst s26  }
0x27: {  	[dreg:$0x2] =	wrdreg s3;
	s3 =	sshrl.u32 s14, $0x3  }
0x28: {  	s31 =	simm.s32 $0x5;
	s0 =	simm.s32 $0x0;
	[dreg:$0x3] =	wrdreg s3  }
.LBB2_1:
0x29: {  	[smem:$0x7F8] =	sst s0  }
0x2a: {  	s12 =	rddreg [dreg:$0x8]  }
0x2b: {  	s5 =	rddreg [dreg:$0xf]  }
0x2c: {  	s6 =	rddreg [dreg:$0x10]  }
0x2d: {  	[tilespmem:s2], [sflag:$0x1] =	stream.linear.gather [hbm4b:s12+s2], $0xE00, $0x38;
	[tilespmem:$0x18000] =	vst v63  }
0x2e: {  	s17 =	simm.s32 $0x1000;
	s7 =	rddreg [dreg:$0x11]  }
0x2f: {  	[tilespmem:s17], [sflag:$0x1] =	stream.linear.gather [hbm4b:s5+s2], $0xE00, $0x38;
	[tilespmem:$0x18000] =	vst v63  }
0x30: {  	s18 =	simm.s32 $0x2000;
	s8 =	rddreg [dreg:$0x12]  }
0x31: {  	[tilespmem:s18], [sflag:$0x1] =	stream.linear.gather [hbm4b:s6+s2], $0xE00, $0x38;
	[tilespmem:$0x18000] =	vst v63  }
0x32: {  	s21 =	simm.s32 $0x3000;
	s9 =	rddreg [dreg:$0x13]  }
0x33: {  	[tilespmem:s21], [sflag:$0x1] =	stream.linear.gather [hbm4b:s7+s2], $0xE00, $0x38;
	[tilespmem:$0x18000] =	vst v63  }
0x34: {  	s16 =	simm.s32 $0x4000;
	s10 =	rddreg [dreg:$0x14]  }
0x35: {  	[tilespmem:s16], [sflag:$0x1] =	stream.linear.gather [hbm4b:s8+s2], $0xE00, $0x38;
	[tilespmem:$0x18000] =	vst v63  }
0x36: {  	s19 =	simm.s32 $0x5000;
	s11 =	rddreg [dreg:$0x15]  }
0x37: {  	[tilespmem:s19], [sflag:$0x1] =	stream.linear.gather [hbm4b:s9+s2], $0xE00, $0x38;
	[tilespmem:$0x18000] =	vst v63  }
0x38: {  	s22 =	simm.s32 $0x6000;
	s13 =	rddreg [dreg:$0x9]  }
0x39: {  	[tilespmem:s22], [sflag:$0x1] =	stream.linear.gather [hbm4b:s10+s2], $0xE00, $0x38;
	[tilespmem:$0x18000] =	vst v63  }
0x3a: {  	s23 =	simm.s32 $0x7000;
	s14 =	rddreg [dreg:$0x16]  }
0x3b: {  	[tilespmem:s23], [sflag:$0x1] =	stream.linear.gather [hbm4b:s11+s2], $0xE00, $0x38;
	[tilespmem:$0x18000] =	vst v63  }
0x3c: {  	s25 =	simm.s32 $0x8000;
	s15 =	rddreg [dreg:$0x17]  }
0x3d: {  	[tilespmem:s25], [sflag:$0x2] =	stream.linear.gather [hbm4b:s13+s2], $0xE00, $0x38;
	[tilespmem:$0x18000] =	vst v63  }
0x3e: {  	s0 =	simm.s32 $0x9000;
	s20 =	rddreg [dreg:$0x18]  }
0x3f: {  	[tilespmem:s0], [sflag:$0x2] =	stream.linear.gather [hbm4b:s14+s2], $0xE00, $0x38;
	[tilespmem:$0x18000] =	vst v63  }
0x40: {  	s1 =	simm.s32 $0xA000;
	s24 =	rddreg [dreg:$0x19]  }
0x41: {  	[tilespmem:s1], [sflag:$0x2] =	stream.linear.gather [hbm4b:s15+s2], $0xE00, $0x38;
	[tilespmem:$0x18000] =	vst v63  }
0x42: {  	s26 =	rddreg [dreg:$0x1b];
	s7 =	simm.s32 $0xB000  }
0x43: {  	[tilespmem:s7], [sflag:$0x2] =	stream.linear.gather [hbm4b:s20+s2], $0xE00, $0x38;
	[tilespmem:$0x18000] =	vst v63  }
0x44: {  	s28 =	rddreg [dreg:$0x1c];
	s8 =	simm.s32 $0xC000  }
0x45: {  	[tilespmem:s8], [sflag:$0x2] =	stream.linear.gather [hbm4b:s24+s2], $0xE00, $0x38;
	[tilespmem:$0x18000] =	vst v63  }
0x46: {  	s29 =	rddreg [dreg:$0x1d];
	s6 =	simm.s32 $0xD000  }
0x47: {  	[tilespmem:s6], [sflag:$0x2] =	stream.linear.gather [hbm4b:s26+s2], $0xE00, $0x38;
	[tilespmem:$0x18000] =	vst v63  }
0x48: {  	s30 =	rddreg [dreg:$0xa];
	s24 =	simm.s32 $0xE000  }
0x49: {  	[tilespmem:s24], [sflag:$0x2] =	stream.linear.gather [hbm4b:s28+s2], $0xE00, $0x38;
	[tilespmem:$0x18000] =	vst v63  }
0x4a: {  	s4 =	simm.s32 $0xF000;
	s3 =	rddreg [dreg:$0x1e]  }
0x4b: {  	[tilespmem:s4], [sflag:$0x2] =	stream.linear.gather [hbm4b:s29+s2], $0xE00, $0x38;
	[tilespmem:$0x18000] =	vst v63  }
0x4c: {  	s5 =	rddreg [dreg:$0x1f];
	s9 =	simm.s32 $0x10000  }
0x4d: {  	[tilespmem:s9], [sflag:$0x3] =	stream.linear.gather [hbm4b:s30+s2], $0xE00, $0x38;
	[tilespmem:$0x18000] =	vst v63  }
0x4e: {  	s10 =	simm.s32 $0x11000;
	s13 =	sld [smem:$0x7F9];
	s20 =	smul.u32 $0xAB, s2  }
0x4f: {  	[tilespmem:s10], [sflag:$0x3] =	stream.linear.gather [hbm4b:s3+s2], $0xE00, $0x38;
	[tilespmem:$0x18000] =	vst v63  }
0x50: {  	s11 =	simm.s32 $0x12000;
	s14 =	sld [smem:$0x7FA];
	s12 =	sshrl.u32 s20, $0xC  }
0x51: {  	[tilespmem:s11], [sflag:$0x3] =	stream.linear.gather [hbm4b:s5+s2], $0xE00, $0x38;
	[tilespmem:$0x18000] =	vst v63  }
0x52: {  	s15 =	sld [smem:$0x7FB];
	s12 =	sand.u32 $0xF, s12;
	s3 =	simm.s32 $0x13000  }
0x53: {  	[tilespmem:s3], [sflag:$0x3] =	stream.linear.gather [hbm4b:s13+s2], $0xE00, $0x38;
	[tilespmem:$0x18000] =	vst v63  }
0x54: {  	s12 =	smul.u32 $0x18, s12;
	s26 =	sld [smem:$0x7FD];
	s5 =	simm.s32 $0x14000  }
0x55: {  	[tilespmem:s5], [sflag:$0x3] =	stream.linear.gather [hbm4b:s14+s2], $0xE00, $0x38;
	[tilespmem:$0x18000] =	vst v63  }
0x56: {  	s28 =	simm.s32 $0x15000;
	s12 =	ssub.s32 $0x0, s12;
	s13 =	sld [smem:$0x7FC]  }
0x57: {  	[tilespmem:s28], [sflag:$0x3] =	stream.linear.gather [hbm4b:s15+s2], $0xE00, $0x38;
	[tilespmem:$0x18000] =	vst v63  }
0x58: {  	s12 =	sand.u32 $0xFF, s12;
	s29 =	simm.s32 $0x16000;
	s14 =	rddreg [dreg:$0x5]  }
0x59: {  	[tilespmem:s29], [sflag:$0x3] =	stream.linear.gather [hbm4b:s13+s2], $0xE00, $0x38;
	[tilespmem:$0x18000] =	vst v63  }
0x5a: {  	s12 =	sshll.u32 s12, $0xF;
	s13 =	sadd.s32 $0x0, s14  }
0x5b: {  	s30 =	simm.s32 $0x17000;
	s15 =	simm.s32 $0x1;
	s13 =	smul.u32 $0xC0000, s13  }
0x5c: {  	[tilespmem:s30], [sflag:$0x3] =	stream.linear.gather [hbm4b:s26+s2], $0xE00, $0x38;
	[tilespmem:$0x18000] =	vst v63  }
0x5d: {  	s12 =	sadd.s32 s13, s12;
	_ =	swait.ge [sflag:s15], $0x7000  }
0x5e: {  	s12 =	sshrl.u32 s12, $0x3;
	[sflag:s15] =	ssyncset.done $0x0;
	s26 =	rddreg [dreg:$0x6]  }
0x5f: {  	[sflag:s15] =	ssyncadd.s32 $0xFFFF9000;
	s12 =	sadd.s32 s26, s12  }
0x60: {  	[hbm4b:s12+s2] =	stream.linear.scatter [tilespmem:s2], [sflag:$0x4], $0xE00, $0x38;
	[tilespmem:$0x18000] =	vst v63  }
0x61: {  	s20 =	sadd.s32 $0x200, s12  }
0x62: {  	[hbm4b:s20+s2] =	stream.linear.scatter [tilespmem:s17], [sflag:$0x4], $0xE00, $0x38;
	[tilespmem:$0x18000] =	vst v63  }
0x63: {  	s14 =	sadd.s32 $0x400, s12  }
0x64: {  	[hbm4b:s14+s2] =	stream.linear.scatter [tilespmem:s18], [sflag:$0x4], $0xE00, $0x38;
	[tilespmem:$0x18000] =	vst v63  }
0x65: {  	s15 =	sadd.s32 $0x600, s12  }
0x66: {  	[hbm4b:s15+s2] =	stream.linear.scatter [tilespmem:s21], [sflag:$0x4], $0xE00, $0x38;
	[tilespmem:$0x18000] =	vst v63  }
0x67: {  	s20 =	smulhi.u32 $0xAAAAAAAB, s2;
	s14 =	simm.s32 $0x0;
	s15 =	sadd.s32 $0x800, s12  }
0x68: {  	[hbm4b:s15+s2] =	stream.linear.scatter [tilespmem:s16], [sflag:$0x4], $0xE00, $0x38;
	[tilespmem:$0x18000] =	vst v63  }
0x69: {  	s13 =	sshrl.u32 s20, $0x4;
	s20 =	sadd.s32 $0xA00, s12;
	s14 =	smul.u32 $0xC0000, s14  }
0x6a: {  	[hbm4b:s20+s2] =	stream.linear.scatter [tilespmem:s19], [sflag:$0x4], $0xE00, $0x38;
	[tilespmem:$0x18000] =	vst v63  }
0x6b: {  	s20 =	rddreg [dreg:$0x1a]  }
0x6c: {  	s13 =	smul.u32 $0xC0000, s13;
	s16 =	sadd.s32 $0xC00, s12;
	s14 =	sadd.s32 s14, s20  }
0x6d: {  	[hbm4b:s16+s2] =	stream.linear.scatter [tilespmem:s22], [sflag:$0x4], $0xE00, $0x38;
	[tilespmem:$0x18000] =	vst v63  }
0x6e: {  	s12 =	sadd.s32 $0xE00, s12;
	s13 =	ssub.s32 s14, s13;
	s22 =	simm.s32 $0x2  }
0x6f: {  	[hbm4b:s12+s2] =	stream.linear.scatter [tilespmem:s23], [sflag:$0x4], $0xE00, $0x38;
	[tilespmem:$0x18000] =	vst v63  }
0x70: {  	s19 =	sadd.s32 $0x8000, s13;
	_ =	swait.ge [sflag:s22], $0x7000  }
0x71: {  	s12 =	sshrl.u32 s19, $0x3;
	[sflag:s22] =	ssyncset.done $0x0  }
0x72: {  	s12 =	sadd.s32 s26, s12;
	[sflag:s22] =	ssyncadd.s32 $0xFFFF9000  }
0x73: {  	[hbm4b:s12+s2] =	stream.linear.scatter [tilespmem:s25], [sflag:$0x5], $0xE00, $0x38;
	[tilespmem:$0x18000] =	vst v63  }
0x74: {  	s23 =	sadd.s32 $0x200, s12  }
0x75: {  	[hbm4b:s23+s2] =	stream.linear.scatter [tilespmem:s0], [sflag:$0x5], $0xE00, $0x38;
	[tilespmem:$0x18000] =	vst v63  }
0x76: {  	s25 =	sadd.s32 $0x400, s12  }
0x77: {  	[hbm4b:s25+s2] =	stream.linear.scatter [tilespmem:s1], [sflag:$0x5], $0xE00, $0x38;
	[tilespmem:$0x18000] =	vst v63  }
0x78: {  	s0 =	sadd.s32 $0x600, s12  }
0x79: {  	[hbm4b:s0+s2] =	stream.linear.scatter [tilespmem:s7], [sflag:$0x5], $0xE00, $0x38;
	[tilespmem:$0x18000] =	vst v63  }
0x7a: {  	s1 =	sadd.s32 $0x800, s12  }
0x7b: {  	[hbm4b:s1+s2] =	stream.linear.scatter [tilespmem:s8], [sflag:$0x5], $0xE00, $0x38;
	[tilespmem:$0x18000] =	vst v63  }
0x7c: {  	s7 =	sadd.s32 $0xA00, s12  }
0x7d: {  	[hbm4b:s7+s2] =	stream.linear.scatter [tilespmem:s6], [sflag:$0x5], $0xE00, $0x38;
	[tilespmem:$0x18000] =	vst v63  }
0x7e: {  	s8 =	sadd.s32 $0xC00, s12  }
0x7f: {  	[hbm4b:s8+s2] =	stream.linear.scatter [tilespmem:s24], [sflag:$0x5], $0xE00, $0x38;
	[tilespmem:$0x18000] =	vst v63  }
0x80: {  	s15 =	simm.s32 $0x3;
	s12 =	sadd.s32 $0xE00, s12  }
0x81: {  	[hbm4b:s12+s2] =	stream.linear.scatter [tilespmem:s4], [sflag:$0x5], $0xE00, $0x38;
	[tilespmem:$0x18000] =	vst v63  }
0x82: {  	s14 =	sadd.s32 $0x10000, s13;
	_ =	swait.ge [sflag:s15], $0x7000  }
0x83: {  	s12 =	sshrl.u32 s14, $0x3;
	[sflag:s15] =	ssyncset.done $0x0  }
0x84: {  	s12 =	sadd.s32 s26, s12;
	[sflag:s15] =	ssyncadd.s32 $0xFFFF9000  }
0x85: {  	[hbm4b:s12+s2] =	stream.linear.scatter [tilespmem:s9], [sflag:$0x6], $0xE00, $0x38;
	[tilespmem:$0x18000] =	vst v63  }
0x86: {  	s16 =	sadd.s32 $0x200, s12  }
0x87: {  	[hbm4b:s16+s2] =	stream.linear.scatter [tilespmem:s10], [sflag:$0x6], $0xE00, $0x38;
	[tilespmem:$0x18000] =	vst v63  }
0x88: {  	s19 =	sadd.s32 $0x400, s12  }
0x89: {  	[hbm4b:s19+s2] =	stream.linear.scatter [tilespmem:s11], [sflag:$0x6], $0xE00, $0x38;
	[tilespmem:$0x18000] =	vst v63  }
0x8a: {  	s22 =	sadd.s32 $0x600, s12  }
0x8b: {  	[hbm4b:s22+s2] =	stream.linear.scatter [tilespmem:s3], [sflag:$0x6], $0xE00, $0x38;
	[tilespmem:$0x18000] =	vst v63  }
0x8c: {  	s23 =	sadd.s32 $0x800, s12  }
0x8d: {  	[hbm4b:s23+s2] =	stream.linear.scatter [tilespmem:s5], [sflag:$0x6], $0xE00, $0x38;
	[tilespmem:$0x18000] =	vst v63  }
0x8e: {  	s24 =	sadd.s32 $0xA00, s12  }
0x8f: {  	[hbm4b:s24+s2] =	stream.linear.scatter [tilespmem:s28], [sflag:$0x6], $0xE00, $0x38;
	[tilespmem:$0x18000] =	vst v63  }
0x90: {  	s25 =	sadd.s32 $0xC00, s12  }
0x91: {  	[hbm4b:s25+s2] =	stream.linear.scatter [tilespmem:s29], [sflag:$0x6], $0xE00, $0x38;
	[tilespmem:$0x18000] =	vst v63  }
0x92: {  	s26 =	simm.s32 $0x4;
	s12 =	sadd.s32 $0xE00, s12  }
0x93: {  	[hbm4b:s12+s2] =	stream.linear.scatter [tilespmem:s30], [sflag:$0x6], $0xE00, $0x38;
	[tilespmem:$0x18000] =	vst v63  }
0x94: {  	_ =	swait.ge [sflag:s26], $0x7000  }
0x95: {  	s28 =	rddreg [dreg:$0x4]  }
0x96: {  	[sflag:s26] =	ssyncset.done $0x0;
	s16 =	rddreg [dreg:$0x7]  }
0x97: {  	[sflag:s26] =	ssyncadd.s32 $0xFFFF9000;
	s19 =	sadd.s32 s16, s28  }
0x98: {  	[tilespmem:s2], [sflag:$0x1] =	stream.linear.gather [hbm4b:s19+s2], $0xE00, $0x38;
	[tilespmem:$0x18000] =	vst v63  }
0x99: {  	s13 =	smov.u32 s20;
	s14 =	simm.s32 $0x1;
	s12 =	sadd.s32 $0x400, s19  }
0x9a: {  	[tilespmem:s17], [sflag:$0x1] =	stream.linear.gather [hbm4b:s12+s2], $0xE00, $0x38;
	[tilespmem:$0x18000] =	vst v63  }
0x9b: {  	s15 =	simm.s32 $0x3;
	s29 =	sadd.s32 $0x800, s19;
	s30 =	sadd.s32 $0xC00, s19  }
0x9c: {  	[tilespmem:s18], [sflag:$0x1] =	stream.linear.gather [hbm4b:s29+s2], $0xE00, $0x38;
	[tilespmem:$0x18000] =	vst v63  }
0x9d: {  	s17 =	simm.s32 $0x6;
	s12 =	smov.u32 s16;
	s18 =	sadd.s32 $0x1000, s19  }
0x9e: {  	[tilespmem:s21], [sflag:$0x1] =	stream.linear.gather [hbm4b:s30+s2], $0xE00, $0x38;
	[tilespmem:$0x18000] =	vst v63  }
.LBB2_2:
0x9f: {  	s0 =	simm.s32 $0x4000  }
0xa0: {  	[tilespmem:s0], [sflag:$0x1] =	stream.linear.gather [hbm4b:s18+s2], $0xE00, $0x38;
	[tilespmem:$0x18000] =	vst v63  }
0xa1: {  	s20 =	sadd.s32 $0x1400, s19;
	s1 =	simm.s32 $0x5000  }
0xa2: {  	[tilespmem:s1], [sflag:$0x1] =	stream.linear.gather [hbm4b:s20+s2], $0xE00, $0x38;
	[tilespmem:$0x18000] =	vst v63  }
0xa3: {  	s3 =	sadd.s32 $0x1800, s19;
	s4 =	simm.s32 $0x6000  }
0xa4: {  	[tilespmem:s4], [sflag:$0x1] =	stream.linear.gather [hbm4b:s3+s2], $0xE00, $0x38;
	[tilespmem:$0x18000] =	vst v63  }
0xa5: {  	s5 =	sadd.s32 $0x1C00, s19;
	s6 =	simm.s32 $0x7000  }
0xa6: {  	[tilespmem:s6], [sflag:$0x1] =	stream.linear.gather [hbm4b:s5+s2], $0xE00, $0x38;
	[tilespmem:$0x18000] =	vst v63  }
0xa7: {  	s13 =	sadd.s32 $0x18000, s13;
	_ =	swait.ge [sflag:s31], $0x7000  }
0xa8: {  	s26 =	simm.s32 $0x9000;
	s7 =	rddreg [dreg:$0x3];
	[sflag:s31] =	ssyncset.done $0x0  }
0xa9: {  	[sflag:s31] =	ssyncadd.s32 $0xFFFF9000;
	s19 =	sadd.s32 s16, s7;
	s31 =	simm.s32 $0x8000  }
0xaa: {  	[tilespmem:s31], [sflag:$0x2] =	stream.linear.gather [hbm4b:s19+s2], $0xE00, $0x38;
	[tilespmem:$0x18000] =	vst v63  }
0xab: {  	s28 =	simm.s32 $0xA000;
	s11 =	simm.s32 $0xB000;
	s8 =	sadd.s32 $0x400, s19  }
0xac: {  	[tilespmem:s26], [sflag:$0x2] =	stream.linear.gather [hbm4b:s8+s2], $0xE00, $0x38;
	[tilespmem:$0x18000] =	vst v63  }
0xad: {  	s30 =	simm.s32 $0xD000;
	s3 =	smul.u32 $0xAB, s15;
	s9 =	sadd.s32 $0x800, s19  }
0xae: {  	[tilespmem:s28], [sflag:$0x2] =	stream.linear.gather [hbm4b:s9+s2], $0xE00, $0x38;
	[tilespmem:$0x18000] =	vst v63  }
0xaf: {  	s24 =	simm.s32 $0xE000;
	s20 =	sshrl.u32 s3, $0xC;
	s10 =	sadd.s32 $0xC00, s19  }
0xb0: {  	[tilespmem:s11], [sflag:$0x2] =	stream.linear.gather [hbm4b:s10+s2], $0xE00, $0x38;
	[tilespmem:$0x18000] =	vst v63  }
0xb1: {  	s20 =	sand.u32 $0xF, s20;
	s21 =	sadd.s32 $0x1000, s19;
	s8 =	simm.s32 $0xC000  }
0xb2: {  	[tilespmem:s8], [sflag:$0x2] =	stream.linear.gather [hbm4b:s21+s2], $0xE00, $0x38;
	[tilespmem:$0x18000] =	vst v63  }
0xb3: {  	s29 =	simm.s32 $0xF000;
	s20 =	smul.u32 $0x18, s20;
	s22 =	sadd.s32 $0x1400, s19  }
0xb4: {  	[tilespmem:s30], [sflag:$0x2] =	stream.linear.gather [hbm4b:s22+s2], $0xE00, $0x38;
	[tilespmem:$0x18000] =	vst v63  }
0xb5: {  	s25 =	simm.s32 $0x6;
	s23 =	sadd.s32 $0x1800, s19;
	s0 =	ssub.s32 s15, s20  }
0xb6: {  	[tilespmem:s24], [sflag:$0x2] =	stream.linear.gather [hbm4b:s23+s2], $0xE00, $0x38;
	[tilespmem:$0x18000] =	vst v63  }
0xb7: {  	s5 =	smulhi.u32 $0xAAAAAAAB, s15;
	s19 =	sadd.s32 $0x1C00, s19;
	s15 =	sand.u32 $0xFF, s0  }
0xb8: {  	[tilespmem:s29], [sflag:$0x2] =	stream.linear.gather [hbm4b:s19+s2], $0xE00, $0x38;
	[tilespmem:$0x18000] =	vst v63  }
0xb9: {  	s6 =	simm.s32 $0x13000;
	s15 =	sshll.u32 s15, $0xF;
	_ =	swait.ge [sflag:s25], $0x7000  }
0xba: {  	s9 =	simm.s32 $0x10000;
	s1 =	rddreg [dreg:$0x2];
	[sflag:s25] =	ssyncset.done $0x0  }
0xbb: {  	s10 =	simm.s32 $0x11000;
	[sflag:s25] =	ssyncadd.s32 $0xFFFF9000;
	s19 =	sadd.s32 s16, s1  }
0xbc: {  	[tilespmem:s9], [sflag:$0x3] =	stream.linear.gather [hbm4b:s19+s2], $0xE00, $0x38;
	[tilespmem:$0x18000] =	vst v63  }
0xbd: {  	s11 =	simm.s32 $0x12000;
	s3 =	rddreg [dreg:$0x5];
	s21 =	sadd.s32 $0x400, s19  }
0xbe: {  	[tilespmem:s10], [sflag:$0x3] =	stream.linear.gather [hbm4b:s21+s2], $0xE00, $0x38;
	[tilespmem:$0x18000] =	vst v63  }
0xbf: {  	s25 =	sshrl.u32 s14, $0x3;
	s4 =	sadd.s32 $0x800, s19;
	s22 =	sadd.s32 $0x1400, s19  }
0xc0: {  	[tilespmem:s11], [sflag:$0x3] =	stream.linear.gather [hbm4b:s4+s2], $0xE00, $0x38;
	[tilespmem:$0x18000] =	vst v63  }
0xc1: {  	s23 =	sadd.s32 $0xC00, s19;
	s7 =	sadd.s32 $0x1000, s19;
	s1 =	smul.u32 $0xC0000, s25  }
0xc2: {  	[tilespmem:s6], [sflag:$0x3] =	stream.linear.gather [hbm4b:s23+s2], $0xE00, $0x38;
	[tilespmem:$0x18000] =	vst v63  }
0xc3: {  	s21 =	sshrl.u32 s5, $0x4;
	s5 =	simm.s32 $0x14000;
	s20 =	sadd.s32 s1, s13  }
0xc4: {  	[tilespmem:s5], [sflag:$0x3] =	stream.linear.gather [hbm4b:s7+s2], $0xE00, $0x38;
	[tilespmem:$0x18000] =	vst v63  }
0xc5: {  	s1 =	simm.s32 $0x17000;
	s21 =	smul.u32 $0xC0000, s21;
	s4 =	simm.s32 $0x15000  }
0xc6: {  	[tilespmem:s4], [sflag:$0x3] =	stream.linear.gather [hbm4b:s22+s2], $0xE00, $0x38;
	[tilespmem:$0x18000] =	vst v63  }
0xc7: {  	s7 =	sadd.s32 $0x1800, s19;
	s22 =	sadd.s32 s3, s25;
	s3 =	simm.s32 $0x16000  }
0xc8: {  	[tilespmem:s3], [sflag:$0x3] =	stream.linear.gather [hbm4b:s7+s2], $0xE00, $0x38;
	[tilespmem:$0x18000] =	vst v63  }
0xc9: {  	s19 =	sadd.s32 $0x1C00, s19;
	s25 =	simm.s32 $0x1;
	s22 =	smul.u32 $0xC0000, s22  }
0xca: {  	[tilespmem:s1], [sflag:$0x3] =	stream.linear.gather [hbm4b:s19+s2], $0xE00, $0x38;
	[tilespmem:$0x18000] =	vst v63  }
0xcb: {  	s23 =	ssub.s32 s20, s21;
	s15 =	sadd.s32 s22, s15;
	_ =	swait.ge [sflag:s25], $0x7000  }
0xcc: {  	s15 =	sshrl.u32 s15, $0x3;
	[sflag:s25] =	ssyncset.done $0x0;
	s0 =	rddreg [dreg:$0x6]  }
0xcd: {  	s20 =	sadd.s32 $0x8000, s23;
	[sflag:s25] =	ssyncadd.s32 $0xFFFF9000;
	s21 =	sadd.s32 s0, s15  }
0xce: {  	[hbm4b:s21+s2] =	stream.linear.scatter [tilespmem:s2], [sflag:$0x4], $0xE00, $0x38;
	[tilespmem:$0x18000] =	vst v63  }
0xcf: {  	s19 =	sadd.s32 $0x10000, s23;
	s23 =	simm.s32 $0x1000;
	s7 =	sadd.s32 $0x200, s21  }
0xd0: {  	[hbm4b:s7+s2] =	stream.linear.scatter [tilespmem:s23], [sflag:$0x4], $0xE00, $0x38;
	[tilespmem:$0x18000] =	vst v63  }
0xd1: {  	s22 =	simm.s32 $0x2000;
	s25 =	sadd.s32 $0x400, s21  }
0xd2: {  	[hbm4b:s25+s2] =	stream.linear.scatter [tilespmem:s22], [sflag:$0x4], $0xE00, $0x38;
	[tilespmem:$0x18000] =	vst v63  }
0xd3: {  	s18 =	smov.u32 s17;
	s7 =	sadd.s32 $0x600, s21;
	s25 =	simm.s32 $0x3000  }
0xd4: {  	[hbm4b:s7+s2] =	stream.linear.scatter [tilespmem:s25], [sflag:$0x4], $0xE00, $0x38;
	[tilespmem:$0x18000] =	vst v63  }
0xd5: {  	s15 =	smov.u32 s18;
	s18 =	sadd.s32 $0x800, s21;
	s7 =	simm.s32 $0x4000  }
0xd6: {  	[hbm4b:s18+s2] =	stream.linear.scatter [tilespmem:s7], [sflag:$0x4], $0xE00, $0x38;
	[tilespmem:$0x18000] =	vst v63  }
0xd7: {  	s18 =	sadd.s32 $0xA00, s21;
	s7 =	simm.s32 $0x5000  }
0xd8: {  	[hbm4b:s18+s2] =	stream.linear.scatter [tilespmem:s7], [sflag:$0x4], $0xE00, $0x38;
	[tilespmem:$0x18000] =	vst v63  }
0xd9: {  	s18 =	sadd.s32 $0xC00, s21;
	s7 =	simm.s32 $0x6000  }
0xda: {  	[hbm4b:s18+s2] =	stream.linear.scatter [tilespmem:s7], [sflag:$0x4], $0xE00, $0x38;
	[tilespmem:$0x18000] =	vst v63  }
0xdb: {  	s7 =	sadd.s32 $0xE00, s21;
	s21 =	simm.s32 $0x7000  }
0xdc: {  	[hbm4b:s7+s2] =	stream.linear.scatter [tilespmem:s21], [sflag:$0x4], $0xE00, $0x38;
	[tilespmem:$0x18000] =	vst v63  }
0xdd: {  	s7 =	simm.s32 $0x2  }
0xde: {  	_ =	swait.ge [sflag:s7], $0x7000  }
0xdf: {  	s20 =	sshrl.u32 s20, $0x3;
	[sflag:s7] =	ssyncset.done $0x0  }
0xe0: {  	s18 =	sadd.s32 s0, s20;
	[sflag:s7] =	ssyncadd.s32 $0xFFFF9000  }
0xe1: {  	[hbm4b:s18+s2] =	stream.linear.scatter [tilespmem:s31], [sflag:$0x5], $0xE00, $0x38;
	[tilespmem:$0x18000] =	vst v63  }
0xe2: {  	s20 =	sadd.s32 $0x200, s18  }
0xe3: {  	[hbm4b:s20+s2] =	stream.linear.scatter [tilespmem:s26], [sflag:$0x5], $0xE00, $0x38;
	[tilespmem:$0x18000] =	vst v63  }
0xe4: {  	s21 =	sadd.s32 $0x400, s18  }
0xe5: {  	[hbm4b:s21+s2] =	stream.linear.scatter [tilespmem:s28], [sflag:$0x5], $0xE00, $0x38;
	[tilespmem:$0x18000] =	vst v63  }
0xe6: {  	s26 =	sadd.s32 $0x600, s18;
	s28 =	simm.s32 $0xB000  }
0xe7: {  	[hbm4b:s26+s2] =	stream.linear.scatter [tilespmem:s28], [sflag:$0x5], $0xE00, $0x38;
	[tilespmem:$0x18000] =	vst v63  }
0xe8: {  	s21 =	sadd.s32 $0x800, s18  }
0xe9: {  	[hbm4b:s21+s2] =	stream.linear.scatter [tilespmem:s8], [sflag:$0x5], $0xE00, $0x38;
	[tilespmem:$0x18000] =	vst v63  }
0xea: {  	s26 =	sadd.s32 $0xA00, s18  }
0xeb: {  	[hbm4b:s26+s2] =	stream.linear.scatter [tilespmem:s30], [sflag:$0x5], $0xE00, $0x38;
	[tilespmem:$0x18000] =	vst v63  }
0xec: {  	s28 =	sadd.s32 $0xC00, s18  }
0xed: {  	[hbm4b:s28+s2] =	stream.linear.scatter [tilespmem:s24], [sflag:$0x5], $0xE00, $0x38;
	[tilespmem:$0x18000] =	vst v63  }
0xee: {  	s18 =	sadd.s32 $0xE00, s18;
	s30 =	simm.s32 $0x3  }
0xef: {  	[hbm4b:s18+s2] =	stream.linear.scatter [tilespmem:s29], [sflag:$0x5], $0xE00, $0x38;
	[tilespmem:$0x18000] =	vst v63  }
0xf0: {  	_ =	swait.ge [sflag:s30], $0x7000  }
0xf1: {  	s19 =	sshrl.u32 s19, $0x3;
	[sflag:s30] =	ssyncset.done $0x0  }
0xf2: {  	s8 =	sadd.s32 s0, s19;
	[sflag:s30] =	ssyncadd.s32 $0xFFFF9000  }
0xf3: {  	[hbm4b:s8+s2] =	stream.linear.scatter [tilespmem:s9], [sflag:$0x6], $0xE00, $0x38;
	[tilespmem:$0x18000] =	vst v63  }
0xf4: {  	s19 =	sadd.s32 $0x200, s8  }
0xf5: {  	[hbm4b:s19+s2] =	stream.linear.scatter [tilespmem:s10], [sflag:$0x6], $0xE00, $0x38;
	[tilespmem:$0x18000] =	vst v63  }
0xf6: {  	s9 =	sadd.s32 $0x400, s8  }
0xf7: {  	[hbm4b:s9+s2] =	stream.linear.scatter [tilespmem:s11], [sflag:$0x6], $0xE00, $0x38;
	[tilespmem:$0x18000] =	vst v63  }
0xf8: {  	s10 =	sadd.s32 $0x600, s8  }
0xf9: {  	[hbm4b:s10+s2] =	stream.linear.scatter [tilespmem:s6], [sflag:$0x6], $0xE00, $0x38;
	[tilespmem:$0x18000] =	vst v63  }
0xfa: {  	s11 =	sadd.s32 $0x800, s8  }
0xfb: {  	[hbm4b:s11+s2] =	stream.linear.scatter [tilespmem:s5], [sflag:$0x6], $0xE00, $0x38;
	[tilespmem:$0x18000] =	vst v63  }
0xfc: {  	s20 =	sadd.s32 $0xA00, s8  }
0xfd: {  	[hbm4b:s20+s2] =	stream.linear.scatter [tilespmem:s4], [sflag:$0x6], $0xE00, $0x38;
	[tilespmem:$0x18000] =	vst v63  }
0xfe: {  	s21 =	sadd.s32 $0xC00, s8  }
0xff: {  	[hbm4b:s21+s2] =	stream.linear.scatter [tilespmem:s3], [sflag:$0x6], $0xE00, $0x38;
	[tilespmem:$0x18000] =	vst v63  }
0x100: {  	s24 =	simm.s32 $0x4;
	s18 =	sadd.s32 $0xE00, s8  }
0x101: {  	[hbm4b:s18+s2] =	stream.linear.scatter [tilespmem:s1], [sflag:$0x6], $0xE00, $0x38;
	[tilespmem:$0x18000] =	vst v63  }
0x102: {  	_ =	swait.ge [sflag:s24], $0x7000  }
0x103: {  	s12 =	sadd.s32 $0x6000, s12;
	s26 =	rddreg [dreg:$0x4];
	[sflag:s24] =	ssyncset.done $0x0  }
0x104: {  	[sflag:s24] =	ssyncadd.s32 $0xFFFF9000;
	s19 =	sadd.s32 s12, s26  }
0x105: {  	[tilespmem:s2], [sflag:$0x1] =	stream.linear.gather [hbm4b:s19+s2], $0xE00, $0x38;
	[tilespmem:$0x18000] =	vst v63  }
0x106: {  	p0 =	sne.s32 s17, $0x5A;
	s28 =	sadd.s32 $0x400, s19  }
0x107: {  	[tilespmem:s23], [sflag:$0x1] =	stream.linear.gather [hbm4b:s28+s2], $0xE00, $0x38;
	[tilespmem:$0x18000] =	vst v63  }
.Ltmp0:
0x108: {  	s17 =	sadd.s32 $0x3, s17;
	(pc) =	sbr.rel @p0 .LBB2_2-.Ltmp0, $4  }
0x109: {  	s16 =	smov.u32 s12;
	s14 =	sadd.s32 $0x1, s14;
	s29 =	sadd.s32 $0x800, s19  }
0x10a: {  	[tilespmem:s22], [sflag:$0x1] =	stream.linear.gather [hbm4b:s29+s2], $0xE00, $0x38;
	[tilespmem:$0x18000] =	vst v63  }
0x10b: {  	s31 =	simm.s32 $0x5;
	s18 =	sadd.s32 $0x1000, s19;
	s30 =	sadd.s32 $0xC00, s19  }
0x10c: {  	[tilespmem:s25], [sflag:$0x1] =	stream.linear.gather [hbm4b:s30+s2], $0xE00, $0x38;
	[tilespmem:$0x18000] =	vst v63  }
0x10d: {  	s0 =	simm.s32 $0x4000  }
0x10e: {  	[tilespmem:s0], [sflag:$0x1] =	stream.linear.gather [hbm4b:s18+s2], $0xE00, $0x38;
	[tilespmem:$0x18000] =	vst v63  }
0x10f: {  	s17 =	sadd.s32 $0x1400, s19;
	s9 =	simm.s32 $0x5000  }
0x110: {  	[tilespmem:s9], [sflag:$0x1] =	stream.linear.gather [hbm4b:s17+s2], $0xE00, $0x38;
	[tilespmem:$0x18000] =	vst v63  }
0x111: {  	s10 =	sadd.s32 $0x1800, s19;
	s11 =	simm.s32 $0x6000  }
0x112: {  	[tilespmem:s11], [sflag:$0x1] =	stream.linear.gather [hbm4b:s10+s2], $0xE00, $0x38;
	[tilespmem:$0x18000] =	vst v63  }
0x113: {  	s18 =	sadd.s32 $0x1C00, s19;
	s19 =	simm.s32 $0x7000  }
0x114: {  	[tilespmem:s19], [sflag:$0x1] =	stream.linear.gather [hbm4b:s18+s2], $0xE00, $0x38;
	[tilespmem:$0x18000] =	vst v63  }
0x115: {  	_ =	swait.ge [sflag:s31], $0x7000  }
0x116: {  	s20 =	rddreg [dreg:$0x3];
	[sflag:s31] =	ssyncset.done $0x0  }
0x117: {  	s21 =	simm.s32 $0x8000;
	[sflag:s31] =	ssyncadd.s32 $0xFFFF9000;
	s17 =	sadd.s32 s16, s20  }
0x118: {  	[tilespmem:s21], [sflag:$0x2] =	stream.linear.gather [hbm4b:s17+s2], $0xE00, $0x38;
	[tilespmem:$0x18000] =	vst v63  }
0x119: {  	s23 =	simm.s32 $0x9000;
	s22 =	sadd.s32 $0x400, s17  }
0x11a: {  	[tilespmem:s23], [sflag:$0x2] =	stream.linear.gather [hbm4b:s22+s2], $0xE00, $0x38;
	[tilespmem:$0x18000] =	vst v63  }
0x11b: {  	s25 =	simm.s32 $0xA000;
	s24 =	sadd.s32 $0x800, s17  }
0x11c: {  	[tilespmem:s25], [sflag:$0x2] =	stream.linear.gather [hbm4b:s24+s2], $0xE00, $0x38;
	[tilespmem:$0x18000] =	vst v63  }
0x11d: {  	s28 =	simm.s32 $0xB000;
	s26 =	sadd.s32 $0xC00, s17  }
0x11e: {  	[tilespmem:s28], [sflag:$0x2] =	stream.linear.gather [hbm4b:s26+s2], $0xE00, $0x38;
	[tilespmem:$0x18000] =	vst v63  }
0x11f: {  	s30 =	simm.s32 $0xC000;
	s29 =	sadd.s32 $0x1000, s17  }
0x120: {  	[tilespmem:s30], [sflag:$0x2] =	stream.linear.gather [hbm4b:s29+s2], $0xE00, $0x38;
	[tilespmem:$0x18000] =	vst v63  }
0x121: {  	s1 =	simm.s32 $0xD000;
	s0 =	sadd.s32 $0x1400, s17  }
0x122: {  	[tilespmem:s1], [sflag:$0x2] =	stream.linear.gather [hbm4b:s0+s2], $0xE00, $0x38;
	[tilespmem:$0x18000] =	vst v63  }
0x123: {  	s6 =	simm.s32 $0xE000;
	s5 =	sadd.s32 $0x1800, s17  }
0x124: {  	[tilespmem:s6], [sflag:$0x2] =	stream.linear.gather [hbm4b:s5+s2], $0xE00, $0x38;
	[tilespmem:$0x18000] =	vst v63  }
0x125: {  	s7 =	simm.s32 $0xF000;
	s17 =	sadd.s32 $0x1C00, s17;
	s1 =	simm.s32 $0x6  }
0x126: {  	[tilespmem:s7], [sflag:$0x2] =	stream.linear.gather [hbm4b:s17+s2], $0xE00, $0x38;
	[tilespmem:$0x18000] =	vst v63  }
0x127: {  	_ =	swait.ge [sflag:s1], $0x7000  }
0x128: {  	s14 =	sshrl.u32 s14, $0x3;
	s8 =	rddreg [dreg:$0x2];
	[sflag:s1] =	ssyncset.done $0x0  }
0x129: {  	s26 =	simm.s32 $0x10000;
	[sflag:s1] =	ssyncadd.s32 $0xFFFF9000;
	s9 =	sadd.s32 s16, s8  }
0x12a: {  	[tilespmem:s26], [sflag:$0x3] =	stream.linear.gather [hbm4b:s9+s2], $0xE00, $0x38;
	[tilespmem:$0x18000] =	vst v63  }
0x12b: {  	s10 =	simm.s32 $0x11000;
	s18 =	simm.s32 $0x12000;
	s17 =	sadd.s32 $0x400, s9  }
0x12c: {  	[tilespmem:s10], [sflag:$0x3] =	stream.linear.gather [hbm4b:s17+s2], $0xE00, $0x38;
	[tilespmem:$0x18000] =	vst v63  }
0x12d: {  	s31 =	simm.s32 $0x17000;
	s22 =	smul.u32 $0xAB, s15;
	s11 =	sadd.s32 $0x800, s9  }
0x12e: {  	[tilespmem:s18], [sflag:$0x3] =	stream.linear.gather [hbm4b:s11+s2], $0xE00, $0x38;
	[tilespmem:$0x18000] =	vst v63  }
0x12f: {  	s25 =	simm.s32 $0x13000;
	s28 =	simm.s32 $0x14000;
	s19 =	sadd.s32 $0xC00, s9  }
0x130: {  	[tilespmem:s25], [sflag:$0x3] =	stream.linear.gather [hbm4b:s19+s2], $0xE00, $0x38;
	[tilespmem:$0x18000] =	vst v63  }
0x131: {  	s29 =	simm.s32 $0x15000;
	s20 =	sadd.s32 $0x1000, s9;
	s17 =	sshrl.u32 s22, $0xC  }
0x132: {  	[tilespmem:s28], [sflag:$0x3] =	stream.linear.gather [hbm4b:s20+s2], $0xE00, $0x38;
	[tilespmem:$0x18000] =	vst v63  }
0x133: {  	s30 =	simm.s32 $0x16000;
	s21 =	sadd.s32 $0x1400, s9;
	s17 =	sand.u32 $0xF, s17  }
0x134: {  	[tilespmem:s29], [sflag:$0x3] =	stream.linear.gather [hbm4b:s21+s2], $0xE00, $0x38;
	[tilespmem:$0x18000] =	vst v63  }
0x135: {  	s5 =	rddreg [dreg:$0x5];
	s24 =	sadd.s32 $0x1800, s9;
	s17 =	smul.u32 $0x18, s17  }
0x136: {  	[tilespmem:s30], [sflag:$0x3] =	stream.linear.gather [hbm4b:s24+s2], $0xE00, $0x38;
	[tilespmem:$0x18000] =	vst v63  }
0x137: {  	s16 =	sadd.s32 $0x1C00, s9;
	s0 =	ssub.s32 s15, s17;
	s17 =	sadd.s32 s5, s14  }
0x138: {  	[tilespmem:s31], [sflag:$0x3] =	stream.linear.gather [hbm4b:s16+s2], $0xE00, $0x38;
	[tilespmem:$0x18000] =	vst v63  }
0x139: {  	s17 =	smul.u32 $0xC0000, s17;
	s16 =	sand.u32 $0xFF, s0  }
0x13a: {  	s0 =	simm.s32 $0x1;
	s16 =	sshll.u32 s16, $0xF  }
0x13b: {  	_ =	swait.ge [sflag:s0], $0x7000;
	s16 =	sadd.s32 s17, s16  }
0x13c: {  	[sflag:s0] =	ssyncset.done $0x0;
	s5 =	rddreg [dreg:$0x6];
	s16 =	sshrl.u32 s16, $0x3  }
0x13d: {  	s4 =	simm.s32 $0x4000;
	[sflag:s0] =	ssyncadd.s32 $0xFFFF9000;
	s16 =	sadd.s32 s5, s16  }
0x13e: {  	[hbm4b:s16+s2] =	stream.linear.scatter [tilespmem:s2], [sflag:$0x4], $0xE00, $0x38;
	[tilespmem:$0x18000] =	vst v63  }
0x13f: {  	s13 =	sadd.s32 $0x18000, s13;
	s22 =	simm.s32 $0x1000;
	s6 =	sadd.s32 $0x200, s16  }
0x140: {  	[hbm4b:s6+s2] =	stream.linear.scatter [tilespmem:s22], [sflag:$0x4], $0xE00, $0x38;
	[tilespmem:$0x18000] =	vst v63  }
0x141: {  	s18 =	simm.s32 $0x5000;
	s19 =	simm.s32 $0x2000;
	s7 =	sadd.s32 $0x400, s16  }
0x142: {  	[hbm4b:s7+s2] =	stream.linear.scatter [tilespmem:s19], [sflag:$0x4], $0xE00, $0x38;
	[tilespmem:$0x18000] =	vst v63  }
0x143: {  	s20 =	simm.s32 $0x3000;
	s21 =	smulhi.u32 $0xAAAAAAAB, s15;
	s8 =	sadd.s32 $0x600, s16  }
0x144: {  	[hbm4b:s8+s2] =	stream.linear.scatter [tilespmem:s20], [sflag:$0x4], $0xE00, $0x38;
	[tilespmem:$0x18000] =	vst v63  }
0x145: {  	s14 =	smul.u32 $0xC0000, s14;
	s15 =	sshrl.u32 s21, $0x4;
	s9 =	sadd.s32 $0x800, s16  }
0x146: {  	[hbm4b:s9+s2] =	stream.linear.scatter [tilespmem:s4], [sflag:$0x4], $0xE00, $0x38;
	[tilespmem:$0x18000] =	vst v63  }
0x147: {  	s13 =	sadd.s32 s14, s13;
	s15 =	smul.u32 $0xC0000, s15;
	s10 =	sadd.s32 $0xA00, s16  }
0x148: {  	[hbm4b:s10+s2] =	stream.linear.scatter [tilespmem:s18], [sflag:$0x4], $0xE00, $0x38;
	[tilespmem:$0x18000] =	vst v63  }
0x149: {  	s21 =	simm.s32 $0x6000;
	s13 =	ssub.s32 s13, s15;
	s24 =	sadd.s32 $0xC00, s16  }
0x14a: {  	[hbm4b:s24+s2] =	stream.linear.scatter [tilespmem:s21], [sflag:$0x4], $0xE00, $0x38;
	[tilespmem:$0x18000] =	vst v63  }
0x14b: {  	s4 =	sadd.s32 $0xE00, s16;
	s16 =	simm.s32 $0x2;
	s10 =	simm.s32 $0x7000  }
0x14c: {  	[hbm4b:s4+s2] =	stream.linear.scatter [tilespmem:s10], [sflag:$0x4], $0xE00, $0x38;
	[tilespmem:$0x18000] =	vst v63  }
0x14d: {  	s6 =	sadd.s32 $0x8000, s13;
	_ =	swait.ge [sflag:s16], $0x7000  }
0x14e: {  	s14 =	sshrl.u32 s6, $0x3;
	[sflag:s16] =	ssyncset.done $0x0  }
0x14f: {  	s14 =	sadd.s32 s5, s14;
	s9 =	simm.s32 $0x8000;
	[sflag:s16] =	ssyncadd.s32 $0xFFFF9000  }
0x150: {  	[hbm4b:s14+s2] =	stream.linear.scatter [tilespmem:s9], [sflag:$0x5], $0xE00, $0x38;
	[tilespmem:$0x18000] =	vst v63  }
0x151: {  	s3 =	simm.s32 $0x9000;
	s7 =	sadd.s32 $0x200, s14  }
0x152: {  	[hbm4b:s7+s2] =	stream.linear.scatter [tilespmem:s3], [sflag:$0x5], $0xE00, $0x38;
	[tilespmem:$0x18000] =	vst v63  }
0x153: {  	s8 =	sadd.s32 $0x400, s14;
	s3 =	simm.s32 $0xA000  }
0x154: {  	[hbm4b:s8+s2] =	stream.linear.scatter [tilespmem:s3], [sflag:$0x5], $0xE00, $0x38;
	[tilespmem:$0x18000] =	vst v63  }
0x155: {  	s6 =	simm.s32 $0xB000;
	s17 =	sadd.s32 $0x600, s14  }
0x156: {  	[hbm4b:s17+s2] =	stream.linear.scatter [tilespmem:s6], [sflag:$0x5], $0xE00, $0x38;
	[tilespmem:$0x18000] =	vst v63  }
0x157: {  	s4 =	sadd.s32 $0x800, s14;
	s8 =	simm.s32 $0xC000  }
0x158: {  	[hbm4b:s4+s2] =	stream.linear.scatter [tilespmem:s8], [sflag:$0x5], $0xE00, $0x38;
	[tilespmem:$0x18000] =	vst v63  }
0x159: {  	s7 =	sadd.s32 $0xA00, s14;
	s4 =	simm.s32 $0xD000  }
0x15a: {  	[hbm4b:s7+s2] =	stream.linear.scatter [tilespmem:s4], [sflag:$0x5], $0xE00, $0x38;
	[tilespmem:$0x18000] =	vst v63  }
0x15b: {  	s17 =	sadd.s32 $0xC00, s14;
	s7 =	simm.s32 $0xE000  }
0x15c: {  	[hbm4b:s17+s2] =	stream.linear.scatter [tilespmem:s7], [sflag:$0x5], $0xE00, $0x38;
	[tilespmem:$0x18000] =	vst v63  }
0x15d: {  	s15 =	simm.s32 $0x3;
	s14 =	sadd.s32 $0xE00, s14;
	s17 =	simm.s32 $0xF000  }
0x15e: {  	[hbm4b:s14+s2] =	stream.linear.scatter [tilespmem:s17], [sflag:$0x5], $0xE00, $0x38;
	[tilespmem:$0x18000] =	vst v63  }
0x15f: {  	s13 =	sadd.s32 $0x10000, s13;
	_ =	swait.ge [sflag:s15], $0x7000  }
0x160: {  	s13 =	sshrl.u32 s13, $0x3;
	[sflag:s15] =	ssyncset.done $0x0  }
0x161: {  	s13 =	sadd.s32 s5, s13;
	[sflag:s15] =	ssyncadd.s32 $0xFFFF9000  }
0x162: {  	[hbm4b:s13+s2] =	stream.linear.scatter [tilespmem:s26], [sflag:$0x6], $0xE00, $0x38;
	[tilespmem:$0x18000] =	vst v63  }
0x163: {  	s23 =	simm.s32 $0x11000;
	s5 =	sadd.s32 $0x200, s13  }
0x164: {  	[hbm4b:s5+s2] =	stream.linear.scatter [tilespmem:s23], [sflag:$0x6], $0xE00, $0x38;
	[tilespmem:$0x18000] =	vst v63  }
0x165: {  	s17 =	sadd.s32 $0x400, s13;
	s23 =	simm.s32 $0x12000  }
0x166: {  	[hbm4b:s17+s2] =	stream.linear.scatter [tilespmem:s23], [sflag:$0x6], $0xE00, $0x38;
	[tilespmem:$0x18000] =	vst v63  }
0x167: {  	s5 =	sadd.s32 $0x600, s13  }
0x168: {  	[hbm4b:s5+s2] =	stream.linear.scatter [tilespmem:s25], [sflag:$0x6], $0xE00, $0x38;
	[tilespmem:$0x18000] =	vst v63  }
0x169: {  	s17 =	sadd.s32 $0x800, s13  }
0x16a: {  	[hbm4b:s17+s2] =	stream.linear.scatter [tilespmem:s28], [sflag:$0x6], $0xE00, $0x38;
	[tilespmem:$0x18000] =	vst v63  }
0x16b: {  	s23 =	sadd.s32 $0xA00, s13  }
0x16c: {  	[hbm4b:s23+s2] =	stream.linear.scatter [tilespmem:s29], [sflag:$0x6], $0xE00, $0x38;
	[tilespmem:$0x18000] =	vst v63  }
0x16d: {  	s5 =	sadd.s32 $0xC00, s13  }
0x16e: {  	[hbm4b:s5+s2] =	stream.linear.scatter [tilespmem:s30], [sflag:$0x6], $0xE00, $0x38;
	[tilespmem:$0x18000] =	vst v63  }
0x16f: {  	s13 =	sadd.s32 $0xE00, s13;
	s5 =	simm.s32 $0x4  }
0x170: {  	[hbm4b:s13+s2] =	stream.linear.scatter [tilespmem:s31], [sflag:$0x6], $0xE00, $0x38;
	[tilespmem:$0x18000] =	vst v63  }
0x171: {  	_ =	swait.ge [sflag:s5], $0x7000  }
0x172: {  	s12 =	sadd.s32 $0x6000, s12;
	s14 =	rddreg [dreg:$0x4];
	[sflag:s5] =	ssyncset.done $0x0  }
0x173: {  	[sflag:s5] =	ssyncadd.s32 $0xFFFF9000;
	s13 =	sadd.s32 s12, s14  }
0x174: {  	[tilespmem:s2], [sflag:$0x1] =	stream.linear.gather [hbm4b:s13+s2], $0xE00, $0x38;
	[tilespmem:$0x18000] =	vst v63  }
0x175: {  	s17 =	sadd.s32 $0x400, s13  }
0x176: {  	[tilespmem:s22], [sflag:$0x1] =	stream.linear.gather [hbm4b:s17+s2], $0xE00, $0x38;
	[tilespmem:$0x18000] =	vst v63  }
0x177: {  	s23 =	sadd.s32 $0x800, s13  }
0x178: {  	[tilespmem:s19], [sflag:$0x1] =	stream.linear.gather [hbm4b:s23+s2], $0xE00, $0x38;
	[tilespmem:$0x18000] =	vst v63  }
0x179: {  	s17 =	sadd.s32 $0xC00, s13  }
0x17a: {  	[tilespmem:s20], [sflag:$0x1] =	stream.linear.gather [hbm4b:s17+s2], $0xE00, $0x38;
	[tilespmem:$0x18000] =	vst v63  }
0x17b: {  	s23 =	sadd.s32 $0x1000, s13;
	s17 =	simm.s32 $0x4000  }
0x17c: {  	[tilespmem:s17], [sflag:$0x1] =	stream.linear.gather [hbm4b:s23+s2], $0xE00, $0x38;
	[tilespmem:$0x18000] =	vst v63  }
0x17d: {  	s23 =	sadd.s32 $0x1400, s13  }
0x17e: {  	[tilespmem:s18], [sflag:$0x1] =	stream.linear.gather [hbm4b:s23+s2], $0xE00, $0x38;
	[tilespmem:$0x18000] =	vst v63  }
0x17f: {  	s23 =	sadd.s32 $0x1800, s13  }
0x180: {  	[tilespmem:s21], [sflag:$0x1] =	stream.linear.gather [hbm4b:s23+s2], $0xE00, $0x38;
	[tilespmem:$0x18000] =	vst v63  }
0x181: {  	s11 =	simm.s32 $0x5;
	s13 =	sadd.s32 $0x1C00, s13  }
0x182: {  	[tilespmem:s10], [sflag:$0x1] =	stream.linear.gather [hbm4b:s13+s2], $0xE00, $0x38;
	[tilespmem:$0x18000] =	vst v63  }
0x183: {  	_ =	swait.ge [sflag:s11], $0x7000  }
0x184: {  	s14 =	rddreg [dreg:$0x3];
	[sflag:s11] =	ssyncset.done $0x0  }
0x185: {  	[sflag:s11] =	ssyncadd.s32 $0xFFFF9000;
	s13 =	sadd.s32 s12, s14  }
0x186: {  	[tilespmem:s9], [sflag:$0x2] =	stream.linear.gather [hbm4b:s13+s2], $0xE00, $0x38;
	[tilespmem:$0x18000] =	vst v63  }
0x187: {  	s24 =	simm.s32 $0x9000;
	s9 =	sadd.s32 $0x400, s13  }
0x188: {  	[tilespmem:s24], [sflag:$0x2] =	stream.linear.gather [hbm4b:s9+s2], $0xE00, $0x38;
	[tilespmem:$0x18000] =	vst v63  }
0x189: {  	s11 =	sadd.s32 $0x800, s13  }
0x18a: {  	[tilespmem:s3], [sflag:$0x2] =	stream.linear.gather [hbm4b:s11+s2], $0xE00, $0x38;
	[tilespmem:$0x18000] =	vst v63  }
0x18b: {  	s9 =	sadd.s32 $0xC00, s13  }
0x18c: {  	[tilespmem:s6], [sflag:$0x2] =	stream.linear.gather [hbm4b:s9+s2], $0xE00, $0x38;
	[tilespmem:$0x18000] =	vst v63  }
0x18d: {  	s11 =	sadd.s32 $0x1000, s13  }
0x18e: {  	[tilespmem:s8], [sflag:$0x2] =	stream.linear.gather [hbm4b:s11+s2], $0xE00, $0x38;
	[tilespmem:$0x18000] =	vst v63  }
0x18f: {  	s9 =	sadd.s32 $0x1400, s13  }
0x190: {  	[tilespmem:s4], [sflag:$0x2] =	stream.linear.gather [hbm4b:s9+s2], $0xE00, $0x38;
	[tilespmem:$0x18000] =	vst v63  }
0x191: {  	s11 =	sadd.s32 $0x1800, s13  }
0x192: {  	[tilespmem:s7], [sflag:$0x2] =	stream.linear.gather [hbm4b:s11+s2], $0xE00, $0x38;
	[tilespmem:$0x18000] =	vst v63  }
0x193: {  	s13 =	sadd.s32 $0x1C00, s13;
	s9 =	simm.s32 $0xF000  }
0x194: {  	[tilespmem:s9], [sflag:$0x2] =	stream.linear.gather [hbm4b:s13+s2], $0xE00, $0x38;
	[tilespmem:$0x18000] =	vst v63  }
0x195: {  	_ =	swait.ge [sflag:s1], $0x7000  }
0x196: {  	s14 =	rddreg [dreg:$0x2];
	[sflag:s1] =	ssyncset.done $0x0  }
0x197: {  	[sflag:s1] =	ssyncadd.s32 $0xFFFF9000;
	s12 =	sadd.s32 s12, s14  }
0x198: {  	[tilespmem:s26], [sflag:$0x3] =	stream.linear.gather [hbm4b:s12+s2], $0xE00, $0x38;
	[tilespmem:$0x18000] =	vst v63  }
0x199: {  	s11 =	simm.s32 $0x11000;
	s13 =	sadd.s32 $0x400, s12  }
0x19a: {  	[tilespmem:s11], [sflag:$0x3] =	stream.linear.gather [hbm4b:s13+s2], $0xE00, $0x38;
	[tilespmem:$0x18000] =	vst v63  }
0x19b: {  	s14 =	simm.s32 $0x12000;
	s13 =	sadd.s32 $0x800, s12  }
0x19c: {  	[tilespmem:s14], [sflag:$0x3] =	stream.linear.gather [hbm4b:s13+s2], $0xE00, $0x38;
	[tilespmem:$0x18000] =	vst v63  }
0x19d: {  	s13 =	sadd.s32 $0xC00, s12  }
0x19e: {  	[tilespmem:s25], [sflag:$0x3] =	stream.linear.gather [hbm4b:s13+s2], $0xE00, $0x38;
	[tilespmem:$0x18000] =	vst v63  }
0x19f: {  	s13 =	sadd.s32 $0x1000, s12  }
0x1a0: {  	[tilespmem:s28], [sflag:$0x3] =	stream.linear.gather [hbm4b:s13+s2], $0xE00, $0x38;
	[tilespmem:$0x18000] =	vst v63  }
0x1a1: {  	s13 =	sadd.s32 $0x1400, s12  }
0x1a2: {  	[tilespmem:s29], [sflag:$0x3] =	stream.linear.gather [hbm4b:s13+s2], $0xE00, $0x38;
	[tilespmem:$0x18000] =	vst v63  }
0x1a3: {  	s13 =	sadd.s32 $0x1800, s12  }
0x1a4: {  	[tilespmem:s30], [sflag:$0x3] =	stream.linear.gather [hbm4b:s13+s2], $0xE00, $0x38;
	[tilespmem:$0x18000] =	vst v63  }
0x1a5: {  	s12 =	sadd.s32 $0x1C00, s12  }
0x1a6: {  	[tilespmem:s31], [sflag:$0x3] =	stream.linear.gather [hbm4b:s12+s2], $0xE00, $0x38;
	[tilespmem:$0x18000] =	vst v63  }
0x1a7: {  	_ =	swait.ge [sflag:s0], $0x7000  }
0x1a8: {  	[sflag:s0] =	ssyncset.done $0x0  }
0x1a9: {  	s13 =	rddreg [dreg:$0xb];
	[sflag:s0] =	ssyncadd.s32 $0xFFFF9000  }
0x1aa: {  	[hbm4b:s13+s2] =	stream.linear.scatter [tilespmem:s2], [sflag:$0x4], $0xE00, $0x38;
	[tilespmem:$0x18000] =	vst v63  }
0x1ab: {  	s0 =	sadd.s32 $0x200, s13  }
0x1ac: {  	[hbm4b:s0+s2] =	stream.linear.scatter [tilespmem:s22], [sflag:$0x4], $0xE00, $0x38;
	[tilespmem:$0x18000] =	vst v63  }
0x1ad: {  	s0 =	sadd.s32 $0x400, s13  }
0x1ae: {  	[hbm4b:s0+s2] =	stream.linear.scatter [tilespmem:s19], [sflag:$0x4], $0xE00, $0x38;
	[tilespmem:$0x18000] =	vst v63  }
0x1af: {  	s22 =	sadd.s32 $0x600, s13  }
0x1b0: {  	[hbm4b:s22+s2] =	stream.linear.scatter [tilespmem:s20], [sflag:$0x4], $0xE00, $0x38;
	[tilespmem:$0x18000] =	vst v63  }
0x1b1: {  	s0 =	sadd.s32 $0x800, s13  }
0x1b2: {  	[hbm4b:s0+s2] =	stream.linear.scatter [tilespmem:s17], [sflag:$0x4], $0xE00, $0x38;
	[tilespmem:$0x18000] =	vst v63  }
0x1b3: {  	s18 =	simm.s32 $0x5000;
	s19 =	sadd.s32 $0xA00, s13  }
0x1b4: {  	[hbm4b:s19+s2] =	stream.linear.scatter [tilespmem:s18], [sflag:$0x4], $0xE00, $0x38;
	[tilespmem:$0x18000] =	vst v63  }
0x1b5: {  	s21 =	simm.s32 $0x6000;
	s20 =	sadd.s32 $0xC00, s13  }
0x1b6: {  	[hbm4b:s20+s2] =	stream.linear.scatter [tilespmem:s21], [sflag:$0x4], $0xE00, $0x38;
	[tilespmem:$0x18000] =	vst v63  }
0x1b7: {  	s23 =	simm.s32 $0x7000;
	s21 =	sadd.s32 $0xE00, s13  }
0x1b8: {  	[hbm4b:s21+s2] =	stream.linear.scatter [tilespmem:s23], [sflag:$0x4], $0xE00, $0x38;
	[tilespmem:$0x18000] =	vst v63  }
0x1b9: {  	_ =	swait.ge [sflag:s16], $0x7000  }
0x1ba: {  	[sflag:s16] =	ssyncset.done $0x0  }
0x1bb: {  	s10 =	simm.s32 $0x8000;
	s22 =	rddreg [dreg:$0xc];
	[sflag:s16] =	ssyncadd.s32 $0xFFFF9000  }
0x1bc: {  	[hbm4b:s22+s2] =	stream.linear.scatter [tilespmem:s10], [sflag:$0x5], $0xE00, $0x38;
	[tilespmem:$0x18000] =	vst v63  }
0x1bd: {  	s24 =	simm.s32 $0x9000;
	s23 =	sadd.s32 $0x200, s22  }
0x1be: {  	[hbm4b:s23+s2] =	stream.linear.scatter [tilespmem:s24], [sflag:$0x5], $0xE00, $0x38;
	[tilespmem:$0x18000] =	vst v63  }
0x1bf: {  	s3 =	simm.s32 $0xA000;
	s0 =	sadd.s32 $0x400, s22  }
0x1c0: {  	[hbm4b:s0+s2] =	stream.linear.scatter [tilespmem:s3], [sflag:$0x5], $0xE00, $0x38;
	[tilespmem:$0x18000] =	vst v63  }
0x1c1: {  	s6 =	simm.s32 $0xB000;
	s10 =	sadd.s32 $0x600, s22  }
0x1c2: {  	[hbm4b:s10+s2] =	stream.linear.scatter [tilespmem:s6], [sflag:$0x5], $0xE00, $0x38;
	[tilespmem:$0x18000] =	vst v63  }
0x1c3: {  	s8 =	simm.s32 $0xC000;
	s16 =	sadd.s32 $0x800, s22  }
0x1c4: {  	[hbm4b:s16+s2] =	stream.linear.scatter [tilespmem:s8], [sflag:$0x5], $0xE00, $0x38;
	[tilespmem:$0x18000] =	vst v63  }
0x1c5: {  	s4 =	simm.s32 $0xD000;
	s17 =	sadd.s32 $0xA00, s22  }
0x1c6: {  	[hbm4b:s17+s2] =	stream.linear.scatter [tilespmem:s4], [sflag:$0x5], $0xE00, $0x38;
	[tilespmem:$0x18000] =	vst v63  }
0x1c7: {  	s7 =	simm.s32 $0xE000;
	s18 =	sadd.s32 $0xC00, s22  }
0x1c8: {  	[hbm4b:s18+s2] =	stream.linear.scatter [tilespmem:s7], [sflag:$0x5], $0xE00, $0x38;
	[tilespmem:$0x18000] =	vst v63  }
0x1c9: {  	s19 =	sadd.s32 $0xE00, s22  }
0x1ca: {  	[hbm4b:s19+s2] =	stream.linear.scatter [tilespmem:s9], [sflag:$0x5], $0xE00, $0x38;
	[tilespmem:$0x18000] =	vst v63  }
0x1cb: {  	_ =	swait.ge [sflag:s15], $0x7000  }
0x1cc: {  	[sflag:s15] =	ssyncset.done $0x0  }
0x1cd: {  	s20 =	rddreg [dreg:$0xd];
	[sflag:s15] =	ssyncadd.s32 $0xFFFF9000  }
0x1ce: {  	[hbm4b:s20+s2] =	stream.linear.scatter [tilespmem:s26], [sflag:$0x6], $0xE00, $0x38;
	[tilespmem:$0x18000] =	vst v63  }
0x1cf: {  	s21 =	sadd.s32 $0x200, s20  }
0x1d0: {  	[hbm4b:s21+s2] =	stream.linear.scatter [tilespmem:s11], [sflag:$0x6], $0xE00, $0x38;
	[tilespmem:$0x18000] =	vst v63  }
0x1d1: {  	s22 =	sadd.s32 $0x400, s20  }
0x1d2: {  	[hbm4b:s22+s2] =	stream.linear.scatter [tilespmem:s14], [sflag:$0x6], $0xE00, $0x38;
	[tilespmem:$0x18000] =	vst v63  }
0x1d3: {  	s23 =	sadd.s32 $0x600, s20  }
0x1d4: {  	[hbm4b:s23+s2] =	stream.linear.scatter [tilespmem:s25], [sflag:$0x6], $0xE00, $0x38;
	[tilespmem:$0x18000] =	vst v63  }
0x1d5: {  	s24 =	sadd.s32 $0x800, s20  }
0x1d6: {  	[hbm4b:s24+s2] =	stream.linear.scatter [tilespmem:s28], [sflag:$0x6], $0xE00, $0x38;
	[tilespmem:$0x18000] =	vst v63  }
0x1d7: {  	s25 =	sadd.s32 $0xA00, s20  }
0x1d8: {  	[hbm4b:s25+s2] =	stream.linear.scatter [tilespmem:s29], [sflag:$0x6], $0xE00, $0x38;
	[tilespmem:$0x18000] =	vst v63  }
0x1d9: {  	s26 =	sadd.s32 $0xC00, s20  }
0x1da: {  	[hbm4b:s26+s2] =	stream.linear.scatter [tilespmem:s30], [sflag:$0x6], $0xE00, $0x38;
	[tilespmem:$0x18000] =	vst v63  }
0x1db: {  	s28 =	sadd.s32 $0xE00, s20  }
0x1dc: {  	[hbm4b:s28+s2] =	stream.linear.scatter [tilespmem:s31], [sflag:$0x6], $0xE00, $0x38;
	[tilespmem:$0x18000] =	vst v63  }
0x1dd: {  	_ =	swait.ge [sflag:s5], $0x7000  }
0x1de: {  	[sflag:s5] =	ssyncset.done $0x0  }
0x1df: {  	s31 =	simm.s32 $0x5;
	[sflag:s5] =	ssyncadd.s32 $0xFFFF9000  }
0x1e0: {  	_ =	swait.ge [sflag:s31], $0x7000  }
0x1e1: {  	[sflag:s31] =	ssyncset.done $0x0  }
0x1e2: {  	[sflag:s31] =	ssyncadd.s32 $0xFFFF9000  }
0x1e3: {  	_ =	swait.ge [sflag:s1], $0x7000  }
0x1e4: {  	s29 =	sld [smem:$0x7F8];
	_ =	sdelay $0x2  }
0x1e5: {  	s30 =	rddreg [dreg:$0xe];
	s0 =	sadd.s32 $0x1, s29  }
0x1e6: {  	p0 =	sne.s32 s0, s30  }
.Ltmp1:
0x1e7: {  	_ = 	snop;
	(pc) =	sbr.rel @p0 .LBB2_1-.Ltmp1, $3  }
0x1e8: {  	_ =	sdelay $0x1  }
0x1e9: {  	[sflag:s1] =	ssyncset.done $0x0  }
0x1ea: {  	[sflag:s1] =	ssyncadd.s32 $0xFFFF9000  }
0x1eb: {  	_ =	sfence.sel $0x180000  }
0x1ec: {  	[bflag:$0x0] =	sbarrier.arrive $0xFFFF  }
0x1ed: {  	_ =	strace $0x90000047  }
0x1ee: {  	s0 =	stileid.u32;
	[bflag:$0x2] =	sbarrier.arrive $0xFFFF  }
0x1ef: {  	p0 =	sne.s32 s0, $0x0;
	s0 =	rddreg [dreg:$0x1]  }
0x1f0: {  	s0 =	sadd.s32 @!p0 $0x100000, s0  }
0x1f1: {  	[sflag:s0] =	ssyncadd.tile.s32 @!p0 $0x1;
	_ =	shalt  }
.Lfunc_end2:
_tile_overlayer_lowered:
.L_overlay_start_2:
0x1f2: {  	(tag) =	ssettag $0x2  }
0x1f3: {  	s0 =	rddreg [dreg:$0x0];
	s2 =	stileid.u32  }
0x1f4: {  	s1 =	rddreg [dreg:$0x1];
	p0 =	sne.s32 s2, $0x0  }
0x1f5: {  	s3 =	rddreg [dreg:$0x2];
	[bflag:$0x3] =	sbarrier.arrive $0xFFFF;
	s2 =	simm.s32 @!p0 $0x1C07  }
0x1f6: {  	[timem:s3], [sflag:s2] =	dma.local @!p0 [hbm:s0], s1  }
0x1f7: {  	s0 =	simm.s32 @!p0 $0x7  }
0x1f8: {  	_ =	swait.ge @!p0 [sflag:s0], s1  }
0x1f9: {  	s1 =	ssub.s32 @!p0 $0x0, s1;
	[sflag:s0] =	ssyncset.done @!p0 $0x0  }
0x1fa: {  	[sflag:s0] =	ssyncadd.s32 @!p0 s1  }
0x1fb: {  	[bflag:$0x3] =	sbarrier.arrive $0xFFFF  }
0x1fc: {  	_ =	shalt  }

</sc_bundles>
